<compile_context>
chip_gen: v7x
topology: tpu7x:2x2x1
jax: 0.10.2.dev20260603
libtpu: 0.0.44.dev20260713+nightly
codegen_flags: <defaults>
</compile_context>

<pallas_src>
import functools

import jax
import jax.numpy as jnp
from jax import lax
from jax.experimental import pallas as pl
from jax.experimental.pallas import tpu as pltpu
from jax.experimental.pallas import tpu_sc as plsc

_LANES = 16
_CHUNK = 4096
_UNROLL = 16


@functools.lru_cache(maxsize=None)
def _build(num_fields: int, vocab: int, embed_dim: int, batch: int):
    info = plsc.get_sparse_core_info()
    nc, ns = info.num_cores, info.num_subcores
    nw = nc * ns
    assert embed_dim == nw
    assert batch % _CHUNK == 0
    nchunks = batch // _CHUNK
    assert nchunks % 2 == 0
    mesh = plsc.VectorSubcoreMesh(core_axis_name="c", subcore_axis_name="s")

    @functools.partial(
        pl.kernel,
        mesh=mesh,
        compiler_params=pltpu.CompilerParams(use_tc_tiling_on_sc=False,
                                             needs_layout_passes=False),
        out_type=jax.ShapeDtypeStruct((num_fields * embed_dim, batch),
                                      jnp.float32),
        scratch_types=[
            pltpu.VMEM((vocab,), jnp.float32),
            pltpu.VMEM((2, _CHUNK), jnp.int32),
            pltpu.VMEM((2, _CHUNK), jnp.float32),
            pltpu.SemaphoreType.DMA,
            pltpu.SemaphoreType.DMA,
            pltpu.SemaphoreType.DMA,
        ],
    )
    def emb_kernel(xt_hbm, tabt_hbm, out_hbm, row_v, xbuf, obuf, xsem, wsem,
                   rsem):
        e = lax.axis_index("s") * nc + lax.axis_index("c")
        nq = 4
        qlen = vocab // nq

        def field_body(f, carry):
            xfirst = pltpu.async_copy(xt_hbm.at[f, pl.ds(0, _CHUNK)],
                                      xbuf.at[0], xsem)
            qcopies = [
                pltpu.async_copy(
                    tabt_hbm.at[f, e, pl.ds(q * qlen, qlen)],
                    row_v.at[pl.ds(q * qlen, qlen)],
                    rsem,
                )
                for q in range(nq)
            ]
            for qc in qcopies:
                qc.wait()
            orow = f * embed_dim + e
            xfirst.wait()

            for c in range(nchunks):
                p = c % 2
                if c + 1 < nchunks:
                    nxt = pltpu.async_copy(
                        xt_hbm.at[f, pl.ds((c + 1) * _CHUNK, _CHUNK)],
                        xbuf.at[1 - p], xsem)
                if c >= 2:
                    pltpu.make_async_copy(
                        obuf.at[p],
                        out_hbm.at[orow, pl.ds((c - 2) * _CHUNK, _CHUNK)],
                        wsem,
                    ).wait()

                def gat(i, carry2):
                    for u in range(_UNROLL):
                        sl = pl.ds((i * _UNROLL + u) * _LANES, _LANES)
                        obuf[p, sl] = plsc.load_gather(row_v, [xbuf[p, sl]])
                    return carry2

                lax.fori_loop(0, _CHUNK // (_LANES * _UNROLL), gat, 0)
                pltpu.make_async_copy(
                    obuf.at[p],
                    out_hbm.at[orow, pl.ds(c * _CHUNK, _CHUNK)],
                    wsem,
                ).start()
                if c + 1 < nchunks:
                    nxt.wait()

            for p in (0, 1):
                pltpu.make_async_copy(
                    obuf.at[p],
                    out_hbm.at[orow, pl.ds((nchunks - 2 + p) * _CHUNK,
                                           _CHUNK)],
                    wsem,
                ).wait()
            return carry

        lax.fori_loop(0, num_fields, field_body, 0)

    return emb_kernel


def kernel(x, tables):
    batch, num_fields = x.shape
    nf, vocab, embed_dim = tables.shape
    assert nf == num_fields
    emb = _build(num_fields, vocab, embed_dim, batch)
    out_t = emb(x.T, tables.transpose(0, 2, 1))
    return out_t.T.reshape(batch, num_fields * embed_dim)

# --- scband reference (transcript-rebuilt; emitter-appended) ---
"""Pipeline reference for scband-base-35244501631278 (READ-ONLY COPY).

The authoritative reference and input builder live on the scoring server;
editing this copy changes nothing except your own understanding.
"""

import jax, jax.numpy as jnp
import numpy as np

NUM_FIELDS = 26
VOCAB = 100000
EMBED_DIM = 32
BATCH = 16384


def setup_inputs(seed: int = 0) -> dict:
    key = jax.random.key(seed)
    k_x, k_t = jax.random.split(key)
    # forward input: sparse feature ids per field
    x = jax.random.randint(k_x, (BATCH, NUM_FIELDS), 0, VOCAB, dtype=jnp.int32)
    # learned parameters: one embedding table per field (non-shared),
    # stacked into a single [NUM_FIELDS, VOCAB, EMBED_DIM] array
    tables = jax.random.normal(k_t, (NUM_FIELDS, VOCAB, EMBED_DIM), dtype=jnp.float32)
    return {"x": x, "tables": tables}


def reference(x, tables):
    # Faithful translation of Base.embed_input with share_embeddings=False
    # and non_embedded_input_dim=0:
    #   embs = [embs[i][x[:, i].long()] for i in range(len(vocab_size))]
    #   return torch.cat(embs, dim=1)
    embs = [tables[i][x[:, i]] for i in range(NUM_FIELDS)]
    return jnp.concatenate(embs, axis=1)

if __name__ == "__main__":
    import jax
    _d = setup_inputs()
    print(jax.jit(kernel)(*tuple(_d.values())))

</pallas_src>

<mosaic_0001>
#map = affine_map<(d0, d1) -> (0, 0)>
#map1 = affine_map<(d0, d1) -> (0, 0, 0)>
module attributes {stable_mosaic.version = 14 : i64} {
  func.func @emb_kernel(%arg0: i32, %arg1: i32, %arg2: memref<26x16384xi32, #tpu.memory_space<hbm>>, %arg3: memref<26x32x100000xf32, #tpu.memory_space<hbm>>, %arg4: memref<832x16384xf32, #tpu.memory_space<hbm>>, %arg5: memref<100000xf32, #tpu.memory_space<vmem>>, %arg6: memref<2x4096xi32, #tpu.memory_space<vmem>>, %arg7: memref<2x4096xf32, #tpu.memory_space<vmem>>, %arg8: memref<!tpu.dma_semaphore, #tpu.memory_space<semaphore_mem>>, %arg9: memref<!tpu.dma_semaphore, #tpu.memory_space<semaphore_mem>>, %arg10: memref<!tpu.dma_semaphore, #tpu.memory_space<semaphore_mem>>) attributes {dimension_semantics = [#tpu.dimension_semantics<core_parallel>, #tpu.dimension_semantics<subcore_parallel>], iteration_bounds = array<i64: 2, 16>, scalar_prefetch = 0 : i64, scratch_operands = 6 : i64, tpu.core_type = #tpu.core_type<sc_vector_subcore>, window_params = [{transform_indices = #map}, {transform_indices = #map1}, {transform_indices = #map}]} {
    %mul3A = arith.constant 2 : i32
    %mul3A_0 = arith.muli %arg1, %mul3A : i32
    %add3A = arith.addi %mul3A_0, %arg0 : i32
    %scan3A = arith.constant 0 : i32
    %scan3A_1 = arith.constant 0 : i32
    %scan3A_2 = arith.constant 26 : i32
    %scan3A_3 = arith.addi %scan3A_1, %scan3A_2 : i32
    %scan3A_4 = arith.constant 1 : i32
    scf.for %scan3A_6 = %scan3A_1 to %scan3A_3 step %scan3A_4  : i32 {
      %dma_start3A = arith.constant 0 : i32
      %dma_start3A_7 = arith.constant 0 : i32
      %dma_start3A_8 = tpu.memref_slice %arg6[%dma_start3A, %dma_start3A_7] : memref<2x4096xi32, #tpu.memory_space<vmem>> -> memref<1x4096xi32, #tpu.memory_space<vmem>>
      %dma_start3A_9 = tpu.memref_squeeze %dma_start3A_8 : memref<1x4096xi32, #tpu.memory_space<vmem>> -> memref<4096xi32, #tpu.memory_space<vmem>>
      %dma_start3A_10 = arith.constant 0 : i32
      %dma_start3A_11 = tpu.memref_slice %arg2[%scan3A_6, %dma_start3A_10] : memref<26x16384xi32, #tpu.memory_space<hbm>> -> memref<1x4096xi32, #tpu.memory_space<hbm>>
      %dma_start3A_12 = tpu.memref_squeeze %dma_start3A_11 : memref<1x4096xi32, #tpu.memory_space<hbm>> -> memref<4096xi32, #tpu.memory_space<hbm>>
      %dma_start3A_13 = arith.constant 0 : i32
      %dma_start3A_14 = tpu.memref_slice %arg6[%dma_start3A, %dma_start3A_13] : memref<2x4096xi32, #tpu.memory_space<vmem>> -> memref<1x4096xi32, #tpu.memory_space<vmem>>
      %dma_start3A_15 = tpu.memref_squeeze %dma_start3A_14 : memref<1x4096xi32, #tpu.memory_space<vmem>> -> memref<4096xi32, #tpu.memory_space<vmem>>
      %dma_start3A_16 = arith.constant 0 : i32
      %dma_start3A_17 = tpu.memref_slice %arg2[%scan3A_6, %dma_start3A_16] : memref<26x16384xi32, #tpu.memory_space<hbm>> -> memref<1x4096xi32, #tpu.memory_space<hbm>>
      %dma_start3A_18 = tpu.memref_squeeze %dma_start3A_17 : memref<1x4096xi32, #tpu.memory_space<hbm>> -> memref<4096xi32, #tpu.memory_space<hbm>>
      tpu.enqueue_dma source(%dma_start3A_18 : memref<4096xi32, #tpu.memory_space<hbm>>) target(%dma_start3A_15 : memref<4096xi32, #tpu.memory_space<vmem>>) target_semaphore(%arg8 : memref<!tpu.dma_semaphore, #tpu.memory_space<semaphore_mem>>)
      %dma_start3A_19 = arith.constant 0 : i32
      %dma_start3A_20 = tpu.memref_slice %arg5[%dma_start3A_19] : memref<100000xf32, #tpu.memory_space<vmem>> -> memref<25000xf32, #tpu.memory_space<vmem>>
      %dma_start3A_21 = arith.constant 0 : i32
      %dma_start3A_22 = tpu.memref_slice %arg3[%scan3A_6, %add3A, %dma_start3A_21] : memref<26x32x100000xf32, #tpu.memory_space<hbm>> -> memref<1x1x25000xf32, #tpu.memory_space<hbm>>
      %dma_start3A_23 = tpu.memref_squeeze %dma_start3A_22 : memref<1x1x25000xf32, #tpu.memory_space<hbm>> -> memref<25000xf32, #tpu.memory_space<hbm>>
      %dma_start3A_24 = arith.constant 0 : i32
      %dma_start3A_25 = tpu.memref_slice %arg5[%dma_start3A_24] : memref<100000xf32, #tpu.memory_space<vmem>> -> memref<25000xf32, #tpu.memory_space<vmem>>
      %dma_start3A_26 = arith.constant 0 : i32
      %dma_start3A_27 = tpu.memref_slice %arg3[%scan3A_6, %add3A, %dma_start3A_26] : memref<26x32x100000xf32, #tpu.memory_space<hbm>> -> memref<1x1x25000xf32, #tpu.memory_space<hbm>>
      %dma_start3A_28 = tpu.memref_squeeze %dma_start3A_27 : memref<1x1x25000xf32, #tpu.memory_space<hbm>> -> memref<25000xf32, #tpu.memory_space<hbm>>
      tpu.enqueue_dma source(%dma_start3A_28 : memref<25000xf32, #tpu.memory_space<hbm>>) target(%dma_start3A_25 : memref<25000xf32, #tpu.memory_space<vmem>>) target_semaphore(%arg10 : memref<!tpu.dma_semaphore, #tpu.memory_space<semaphore_mem>>)
      %dma_start3A_29 = arith.constant 25000 : i32
      %dma_start3A_30 = tpu.memref_slice %arg5[%dma_start3A_29] : memref<100000xf32, #tpu.memory_space<vmem>> -> memref<25000xf32, #tpu.memory_space<vmem>>
      %dma_start3A_31 = arith.constant 25000 : i32
      %dma_start3A_32 = tpu.memref_slice %arg3[%scan3A_6, %add3A, %dma_start3A_31] : memref<26x32x100000xf32, #tpu.memory_space<hbm>> -> memref<1x1x25000xf32, #tpu.memory_space<hbm>>
      %dma_start3A_33 = tpu.memref_squeeze %dma_start3A_32 : memref<1x1x25000xf32, #tpu.memory_space<hbm>> -> memref<25000xf32, #tpu.memory_space<hbm>>
      %dma_start3A_34 = arith.constant 25000 : i32
      %dma_start3A_35 = tpu.memref_slice %arg5[%dma_start3A_34] : memref<100000xf32, #tpu.memory_space<vmem>> -> memref<25000xf32, #tpu.memory_space<vmem>>
      %dma_start3A_36 = arith.constant 25000 : i32
      %dma_start3A_37 = tpu.memref_slice %arg3[%scan3A_6, %add3A, %dma_start3A_36] : memref<26x32x100000xf32, #tpu.memory_space<hbm>> -> memref<1x1x25000xf32, #tpu.memory_space<hbm>>
      %dma_start3A_38 = tpu.memref_squeeze %dma_start3A_37 : memref<1x1x25000xf32, #tpu.memory_space<hbm>> -> memref<25000xf32, #tpu.memory_space<hbm>>
      tpu.enqueue_dma source(%dma_start3A_38 : memref<25000xf32, #tpu.memory_space<hbm>>) target(%dma_start3A_35 : memref<25000xf32, #tpu.memory_space<vmem>>) target_semaphore(%arg10 : memref<!tpu.dma_semaphore, #tpu.memory_space<semaphore_mem>>)
      %dma_start3A_39 = arith.constant 50000 : i32
      %dma_start3A_40 = tpu.memref_slice %arg5[%dma_start3A_39] : memref<100000xf32, #tpu.memory_space<vmem>> -> memref<25000xf32, #tpu.memory_space<vmem>>
      %dma_start3A_41 = arith.constant 50000 : i32
      %dma_start3A_42 = tpu.memref_slice %arg3[%scan3A_6, %add3A, %dma_start3A_41] : memref<26x32x100000xf32, #tpu.memory_space<hbm>> -> memref<1x1x25000xf32, #tpu.memory_space<hbm>>
      %dma_start3A_43 = tpu.memref_squeeze %dma_start3A_42 : memref<1x1x25000xf32, #tpu.memory_space<hbm>> -> memref<25000xf32, #tpu.memory_space<hbm>>
      %dma_start3A_44 = arith.constant 50000 : i32
      %dma_start3A_45 = tpu.memref_slice %arg5[%dma_start3A_44] : memref<100000xf32, #tpu.memory_space<vmem>> -> memref<25000xf32, #tpu.memory_space<vmem>>
      %dma_start3A_46 = arith.constant 50000 : i32
      %dma_start3A_47 = tpu.memref_slice %arg3[%scan3A_6, %add3A, %dma_start3A_46] : memref<26x32x100000xf32, #tpu.memory_space<hbm>> -> memref<1x1x25000xf32, #tpu.memory_space<hbm>>
      %dma_start3A_48 = tpu.memref_squeeze %dma_start3A_47 : memref<1x1x25000xf32, #tpu.memory_space<hbm>> -> memref<25000xf32, #tpu.memory_space<hbm>>
      tpu.enqueue_dma source(%dma_start3A_48 : memref<25000xf32, #tpu.memory_space<hbm>>) target(%dma_start3A_45 : memref<25000xf32, #tpu.memory_space<vmem>>) target_semaphore(%arg10 : memref<!tpu.dma_semaphore, #tpu.memory_space<semaphore_mem>>)
      %dma_start3A_49 = arith.constant 75000 : i32
      %dma_start3A_50 = tpu.memref_slice %arg5[%dma_start3A_49] : memref<100000xf32, #tpu.memory_space<vmem>> -> memref<25000xf32, #tpu.memory_space<vmem>>
      %dma_start3A_51 = arith.constant 75000 : i32
      %dma_start3A_52 = tpu.memref_slice %arg3[%scan3A_6, %add3A, %dma_start3A_51] : memref<26x32x100000xf32, #tpu.memory_space<hbm>> -> memref<1x1x25000xf32, #tpu.memory_space<hbm>>
      %dma_start3A_53 = tpu.memref_squeeze %dma_start3A_52 : memref<1x1x25000xf32, #tpu.memory_space<hbm>> -> memref<25000xf32, #tpu.memory_space<hbm>>
      %dma_start3A_54 = arith.constant 75000 : i32
      %dma_start3A_55 = tpu.memref_slice %arg5[%dma_start3A_54] : memref<100000xf32, #tpu.memory_space<vmem>> -> memref<25000xf32, #tpu.memory_space<vmem>>
      %dma_start3A_56 = arith.constant 75000 : i32
      %dma_start3A_57 = tpu.memref_slice %arg3[%scan3A_6, %add3A, %dma_start3A_56] : memref<26x32x100000xf32, #tpu.memory_space<hbm>> -> memref<1x1x25000xf32, #tpu.memory_space<hbm>>
      %dma_start3A_58 = tpu.memref_squeeze %dma_start3A_57 : memref<1x1x25000xf32, #tpu.memory_space<hbm>> -> memref<25000xf32, #tpu.memory_space<hbm>>
      tpu.enqueue_dma source(%dma_start3A_58 : memref<25000xf32, #tpu.memory_space<hbm>>) target(%dma_start3A_55 : memref<25000xf32, #tpu.memory_space<vmem>>) target_semaphore(%arg10 : memref<!tpu.dma_semaphore, #tpu.memory_space<semaphore_mem>>)
      %dma_wait3A = arith.constant 0 : i32
      %dma_wait3A_59 = tpu.memref_slice %arg5[%dma_wait3A] : memref<100000xf32, #tpu.memory_space<vmem>> -> memref<25000xf32, #tpu.memory_space<vmem>>
      %dma_wait3A_60 = arith.constant 0 : i32
      %dma_wait3A_61 = tpu.memref_slice %arg3[%scan3A_6, %add3A, %dma_wait3A_60] : memref<26x32x100000xf32, #tpu.memory_space<hbm>> -> memref<1x1x25000xf32, #tpu.memory_space<hbm>>
      %dma_wait3A_62 = tpu.memref_squeeze %dma_wait3A_61 : memref<1x1x25000xf32, #tpu.memory_space<hbm>> -> memref<25000xf32, #tpu.memory_space<hbm>>
      %dma_wait3A_63 = arith.constant 0 : i32
      %dma_wait3A_64 = tpu.memref_slice %arg5[%dma_wait3A_63] : memref<100000xf32, #tpu.memory_space<vmem>> -> memref<25000xf32, #tpu.memory_space<vmem>>
      %dma_wait3A_65 = arith.constant 0 : i32
      %dma_wait3A_66 = tpu.memref_slice %arg3[%scan3A_6, %add3A, %dma_wait3A_65] : memref<26x32x100000xf32, #tpu.memory_space<hbm>> -> memref<1x1x25000xf32, #tpu.memory_space<hbm>>
      %dma_wait3A_67 = tpu.memref_squeeze %dma_wait3A_66 : memref<1x1x25000xf32, #tpu.memory_space<hbm>> -> memref<25000xf32, #tpu.memory_space<hbm>>
      tpu.wait_dma2 semaphore(%arg10 : memref<!tpu.dma_semaphore, #tpu.memory_space<semaphore_mem>>) src(%dma_wait3A_67 : memref<25000xf32, #tpu.memory_space<hbm>>) dst(%dma_wait3A_64 : memref<25000xf32, #tpu.memory_space<vmem>>)
      %dma_wait3A_68 = arith.constant 25000 : i32
      %dma_wait3A_69 = tpu.memref_slice %arg5[%dma_wait3A_68] : memref<100000xf32, #tpu.memory_space<vmem>> -> memref<25000xf32, #tpu.memory_space<vmem>>
      %dma_wait3A_70 = arith.constant 25000 : i32
      %dma_wait3A_71 = tpu.memref_slice %arg3[%scan3A_6, %add3A, %dma_wait3A_70] : memref<26x32x100000xf32, #tpu.memory_space<hbm>> -> memref<1x1x25000xf32, #tpu.memory_space<hbm>>
      %dma_wait3A_72 = tpu.memref_squeeze %dma_wait3A_71 : memref<1x1x25000xf32, #tpu.memory_space<hbm>> -> memref<25000xf32, #tpu.memory_space<hbm>>
      %dma_wait3A_73 = arith.constant 25000 : i32
      %dma_wait3A_74 = tpu.memref_slice %arg5[%dma_wait3A_73] : memref<100000xf32, #tpu.memory_space<vmem>> -> memref<25000xf32, #tpu.memory_space<vmem>>
      %dma_wait3A_75 = arith.constant 25000 : i32
      %dma_wait3A_76 = tpu.memref_slice %arg3[%scan3A_6, %add3A, %dma_wait3A_75] : memref<26x32x100000xf32, #tpu.memory_space<hbm>> -> memref<1x1x25000xf32, #tpu.memory_space<hbm>>
      %dma_wait3A_77 = tpu.memref_squeeze %dma_wait3A_76 : memref<1x1x25000xf32, #tpu.memory_space<hbm>> -> memref<25000xf32, #tpu.memory_space<hbm>>
      tpu.wait_dma2 semaphore(%arg10 : memref<!tpu.dma_semaphore, #tpu.memory_space<semaphore_mem>>) src(%dma_wait3A_77 : memref<25000xf32, #tpu.memory_space<hbm>>) dst(%dma_wait3A_74 : memref<25000xf32, #tpu.memory_space<vmem>>)
      %dma_wait3A_78 = arith.constant 50000 : i32
      %dma_wait3A_79 = tpu.memref_slice %arg5[%dma_wait3A_78] : memref<100000xf32, #tpu.memory_space<vmem>> -> memref<25000xf32, #tpu.memory_space<vmem>>
      %dma_wait3A_80 = arith.constant 50000 : i32
      %dma_wait3A_81 = tpu.memref_slice %arg3[%scan3A_6, %add3A, %dma_wait3A_80] : memref<26x32x100000xf32, #tpu.memory_space<hbm>> -> memref<1x1x25000xf32, #tpu.memory_space<hbm>>
      %dma_wait3A_82 = tpu.memref_squeeze %dma_wait3A_81 : memref<1x1x25000xf32, #tpu.memory_space<hbm>> -> memref<25000xf32, #tpu.memory_space<hbm>>
      %dma_wait3A_83 = arith.constant 50000 : i32
      %dma_wait3A_84 = tpu.memref_slice %arg5[%dma_wait3A_83] : memref<100000xf32, #tpu.memory_space<vmem>> -> memref<25000xf32, #tpu.memory_space<vmem>>
      %dma_wait3A_85 = arith.constant 50000 : i32
      %dma_wait3A_86 = tpu.memref_slice %arg3[%scan3A_6, %add3A, %dma_wait3A_85] : memref<26x32x100000xf32, #tpu.memory_space<hbm>> -> memref<1x1x25000xf32, #tpu.memory_space<hbm>>
      %dma_wait3A_87 = tpu.memref_squeeze %dma_wait3A_86 : memref<1x1x25000xf32, #tpu.memory_space<hbm>> -> memref<25000xf32, #tpu.memory_space<hbm>>
      tpu.wait_dma2 semaphore(%arg10 : memref<!tpu.dma_semaphore, #tpu.memory_space<semaphore_mem>>) src(%dma_wait3A_87 : memref<25000xf32, #tpu.memory_space<hbm>>) dst(%dma_wait3A_84 : memref<25000xf32, #tpu.memory_space<vmem>>)
      %dma_wait3A_88 = arith.constant 75000 : i32
      %dma_wait3A_89 = tpu.memref_slice %arg5[%dma_wait3A_88] : memref<100000xf32, #tpu.memory_space<vmem>> -> memref<25000xf32, #tpu.memory_space<vmem>>
      %dma_wait3A_90 = arith.constant 75000 : i32
      %dma_wait3A_91 = tpu.memref_slice %arg3[%scan3A_6, %add3A, %dma_wait3A_90] : memref<26x32x100000xf32, #tpu.memory_space<hbm>> -> memref<1x1x25000xf32, #tpu.memory_space<hbm>>
      %dma_wait3A_92 = tpu.memref_squeeze %dma_wait3A_91 : memref<1x1x25000xf32, #tpu.memory_space<hbm>> -> memref<25000xf32, #tpu.memory_space<hbm>>
      %dma_wait3A_93 = arith.constant 75000 : i32
      %dma_wait3A_94 = tpu.memref_slice %arg5[%dma_wait3A_93] : memref<100000xf32, #tpu.memory_space<vmem>> -> memref<25000xf32, #tpu.memory_space<vmem>>
      %dma_wait3A_95 = arith.constant 75000 : i32
      %dma_wait3A_96 = tpu.memref_slice %arg3[%scan3A_6, %add3A, %dma_wait3A_95] : memref<26x32x100000xf32, #tpu.memory_space<hbm>> -> memref<1x1x25000xf32, #tpu.memory_space<hbm>>
      %dma_wait3A_97 = tpu.memref_squeeze %dma_wait3A_96 : memref<1x1x25000xf32, #tpu.memory_space<hbm>> -> memref<25000xf32, #tpu.memory_space<hbm>>
      tpu.wait_dma2 semaphore(%arg10 : memref<!tpu.dma_semaphore, #tpu.memory_space<semaphore_mem>>) src(%dma_wait3A_97 : memref<25000xf32, #tpu.memory_space<hbm>>) dst(%dma_wait3A_94 : memref<25000xf32, #tpu.memory_space<vmem>>)
      %mul3A_98 = arith.constant 32 : i32
      %mul3A_99 = arith.muli %scan3A_6, %mul3A_98 : i32
      %add3A_100 = arith.addi %mul3A_99, %add3A : i32
      %dma_wait3A_101 = arith.constant 0 : i32
      %dma_wait3A_102 = arith.constant 0 : i32
      %dma_wait3A_103 = tpu.memref_slice %arg6[%dma_wait3A_101, %dma_wait3A_102] : memref<2x4096xi32, #tpu.memory_space<vmem>> -> memref<1x4096xi32, #tpu.memory_space<vmem>>
      %dma_wait3A_104 = tpu.memref_squeeze %dma_wait3A_103 : memref<1x4096xi32, #tpu.memory_space<vmem>> -> memref<4096xi32, #tpu.memory_space<vmem>>
      %dma_wait3A_105 = arith.constant 0 : i32
      %dma_wait3A_106 = tpu.memref_slice %arg2[%scan3A_6, %dma_wait3A_105] : memref<26x16384xi32, #tpu.memory_space<hbm>> -> memref<1x4096xi32, #tpu.memory_space<hbm>>
      %dma_wait3A_107 = tpu.memref_squeeze %dma_wait3A_106 : memref<1x4096xi32, #tpu.memory_space<hbm>> -> memref<4096xi32, #tpu.memory_space<hbm>>
      %dma_wait3A_108 = arith.constant 0 : i32
      %dma_wait3A_109 = tpu.memref_slice %arg6[%dma_wait3A_101, %dma_wait3A_108] : memref<2x4096xi32, #tpu.memory_space<vmem>> -> memref<1x4096xi32, #tpu.memory_space<vmem>>
      %dma_wait3A_110 = tpu.memref_squeeze %dma_wait3A_109 : memref<1x4096xi32, #tpu.memory_space<vmem>> -> memref<4096xi32, #tpu.memory_space<vmem>>
      %dma_wait3A_111 = arith.constant 0 : i32
      %dma_wait3A_112 = tpu.memref_slice %arg2[%scan3A_6, %dma_wait3A_111] : memref<26x16384xi32, #tpu.memory_space<hbm>> -> memref<1x4096xi32, #tpu.memory_space<hbm>>
      %dma_wait3A_113 = tpu.memref_squeeze %dma_wait3A_112 : memref<1x4096xi32, #tpu.memory_space<hbm>> -> memref<4096xi32, #tpu.memory_space<hbm>>
      tpu.wait_dma2 semaphore(%arg8 : memref<!tpu.dma_semaphore, #tpu.memory_space<semaphore_mem>>) src(%dma_wait3A_113 : memref<4096xi32, #tpu.memory_space<hbm>>) dst(%dma_wait3A_110 : memref<4096xi32, #tpu.memory_space<vmem>>)
      %dma_start3A_114 = arith.constant 1 : i32
      %dma_start3A_115 = arith.constant 0 : i32
      %dma_start3A_116 = tpu.memref_slice %arg6[%dma_start3A_114, %dma_start3A_115] : memref<2x4096xi32, #tpu.memory_space<vmem>> -> memref<1x4096xi32, #tpu.memory_space<vmem>>
      %dma_start3A_117 = tpu.memref_squeeze %dma_start3A_116 : memref<1x4096xi32, #tpu.memory_space<vmem>> -> memref<4096xi32, #tpu.memory_space<vmem>>
      %dma_start3A_118 = arith.constant 4096 : i32
      %dma_start3A_119 = tpu.memref_slice %arg2[%scan3A_6, %dma_start3A_118] : memref<26x16384xi32, #tpu.memory_space<hbm>> -> memref<1x4096xi32, #tpu.memory_space<hbm>>
      %dma_start3A_120 = tpu.memref_squeeze %dma_start3A_119 : memref<1x4096xi32, #tpu.memory_space<hbm>> -> memref<4096xi32, #tpu.memory_space<hbm>>
      %dma_start3A_121 = arith.constant 0 : i32
      %dma_start3A_122 = tpu.memref_slice %arg6[%dma_start3A_114, %dma_start3A_121] : memref<2x4096xi32, #tpu.memory_space<vmem>> -> memref<1x4096xi32, #tpu.memory_space<vmem>>
      %dma_start3A_123 = tpu.memref_squeeze %dma_start3A_122 : memref<1x4096xi32, #tpu.memory_space<vmem>> -> memref<4096xi32, #tpu.memory_space<vmem>>
      %dma_start3A_124 = arith.constant 4096 : i32
      %dma_start3A_125 = tpu.memref_slice %arg2[%scan3A_6, %dma_start3A_124] : memref<26x16384xi32, #tpu.memory_space<hbm>> -> memref<1x4096xi32, #tpu.memory_space<hbm>>
      %dma_start3A_126 = tpu.memref_squeeze %dma_start3A_125 : memref<1x4096xi32, #tpu.memory_space<hbm>> -> memref<4096xi32, #tpu.memory_space<hbm>>
      tpu.enqueue_dma source(%dma_start3A_126 : memref<4096xi32, #tpu.memory_space<hbm>>) target(%dma_start3A_123 : memref<4096xi32, #tpu.memory_space<vmem>>) target_semaphore(%arg8 : memref<!tpu.dma_semaphore, #tpu.memory_space<semaphore_mem>>)
      %scan3A_127 = arith.constant 0 : i32
      %scan3A_128 = arith.constant 0 : i32
      %scan3A_129 = arith.constant 16 : i32
      %scan3A_130 = arith.addi %scan3A_128, %scan3A_129 : i32
      %scan3A_131 = arith.constant 1 : i32
      scf.for %scan3A_320 = %scan3A_128 to %scan3A_130 step %scan3A_131  : i32 {
        %mul3A_321 = arith.constant 16 : i32
        %mul3A_322 = arith.muli %scan3A_320, %mul3A_321 : i32
        %add3A_323 = arith.constant 0 : i32
        %add3A_324 = arith.addi %mul3A_322, %add3A_323 : i32
        %mul3A_325 = arith.constant 16 : i32
        %mul3A_326 = arith.muli %add3A_324, %mul3A_325 : i32
        %get3A = arith.constant 0 : i32
        %get3A_327 = arith.index_cast %get3A : i32 to index
        %get3A_328 = arith.index_cast %mul3A_326 : i32 to index
        %get3A_329 = tpu.vector_load %arg6[%get3A_327, %get3A_328] {strides = array<i32>} : memref<2x4096xi32, #tpu.memory_space<vmem>>, vector<16xi32>,
        %gather3A = tpu.vector_load_idx %arg5[%get3A_329] : memref<100000xf32, #tpu.memory_space<vmem>>[vector<16xi32>], vector<16xf32>,
        %swap3A = arith.constant 0 : i32
        %swap3A_330 = arith.index_cast %swap3A : i32 to index
        %swap3A_331 = arith.index_cast %mul3A_326 : i32 to index
        %swap3A_332 = tpu.vector_load %arg7[%swap3A_330, %swap3A_331] {strides = array<i32>} : memref<2x4096xf32, #tpu.memory_space<vmem>>, vector<16xf32>,
        tpu.vector_store %arg7[%swap3A_330, %swap3A_331], %gather3A {strides = array<i32>} : memref<2x4096xf32, #tpu.memory_space<vmem>>, vector<16xf32>,
        %mul3A_333 = arith.constant 16 : i32
        %mul3A_334 = arith.muli %scan3A_320, %mul3A_333 : i32
        %add3A_335 = arith.constant 1 : i32
        %add3A_336 = arith.addi %mul3A_334, %add3A_335 : i32
        %mul3A_337 = arith.constant 16 : i32
        %mul3A_338 = arith.muli %add3A_336, %mul3A_337 : i32
        %get3A_339 = arith.constant 0 : i32
        %get3A_340 = arith.index_cast %get3A_339 : i32 to index
        %get3A_341 = arith.index_cast %mul3A_338 : i32 to index
        %get3A_342 = tpu.vector_load %arg6[%get3A_340, %get3A_341] {strides = array<i32>} : memref<2x4096xi32, #tpu.memory_space<vmem>>, vector<16xi32>,
        %gather3A_343 = tpu.vector_load_idx %arg5[%get3A_342] : memref<100000xf32, #tpu.memory_space<vmem>>[vector<16xi32>], vector<16xf32>,
        %swap3A_344 = arith.constant 0 : i32
        %swap3A_345 = arith.index_cast %swap3A_344 : i32 to index
        %swap3A_346 = arith.index_cast %mul3A_338 : i32 to index
        %swap3A_347 = tpu.vector_load %arg7[%swap3A_345, %swap3A_346] {strides = array<i32>} : memref<2x4096xf32, #tpu.memory_space<vmem>>, vector<16xf32>,
        tpu.vector_store %arg7[%swap3A_345, %swap3A_346], %gather3A_343 {strides = array<i32>} : memref<2x4096xf32, #tpu.memory_space<vmem>>, vector<16xf32>,
        %mul3A_348 = arith.constant 16 : i32
        %mul3A_349 = arith.muli %scan3A_320, %mul3A_348 : i32
        %add3A_350 = arith.constant 2 : i32
        %add3A_351 = arith.addi %mul3A_349, %add3A_350 : i32
        %mul3A_352 = arith.constant 16 : i32
        %mul3A_353 = arith.muli %add3A_351, %mul3A_352 : i32
        %get3A_354 = arith.constant 0 : i32
        %get3A_355 = arith.index_cast %get3A_354 : i32 to index
        %get3A_356 = arith.index_cast %mul3A_353 : i32 to index
        %get3A_357 = tpu.vector_load %arg6[%get3A_355, %get3A_356] {strides = array<i32>} : memref<2x4096xi32, #tpu.memory_space<vmem>>, vector<16xi32>,
        %gather3A_358 = tpu.vector_load_idx %arg5[%get3A_357] : memref<100000xf32, #tpu.memory_space<vmem>>[vector<16xi32>], vector<16xf32>,
        %swap3A_359 = arith.constant 0 : i32
        %swap3A_360 = arith.index_cast %swap3A_359 : i32 to index
        %swap3A_361 = arith.index_cast %mul3A_353 : i32 to index
        %swap3A_362 = tpu.vector_load %arg7[%swap3A_360, %swap3A_361] {strides = array<i32>} : memref<2x4096xf32, #tpu.memory_space<vmem>>, vector<16xf32>,
        tpu.vector_store %arg7[%swap3A_360, %swap3A_361], %gather3A_358 {strides = array<i32>} : memref<2x4096xf32, #tpu.memory_space<vmem>>, vector<16xf32>,
        %mul3A_363 = arith.constant 16 : i32
        %mul3A_364 = arith.muli %scan3A_320, %mul3A_363 : i32
        %add3A_365 = arith.constant 3 : i32
        %add3A_366 = arith.addi %mul3A_364, %add3A_365 : i32
        %mul3A_367 = arith.constant 16 : i32
        %mul3A_368 = arith.muli %add3A_366, %mul3A_367 : i32
        %get3A_369 = arith.constant 0 : i32
        %get3A_370 = arith.index_cast %get3A_369 : i32 to index
        %get3A_371 = arith.index_cast %mul3A_368 : i32 to index
        %get3A_372 = tpu.vector_load %arg6[%get3A_370, %get3A_371] {strides = array<i32>} : memref<2x4096xi32, #tpu.memory_space<vmem>>, vector<16xi32>,
        %gather3A_373 = tpu.vector_load_idx %arg5[%get3A_372] : memref<100000xf32, #tpu.memory_space<vmem>>[vector<16xi32>], vector<16xf32>,
        %swap3A_374 = arith.constant 0 : i32
        %swap3A_375 = arith.index_cast %swap3A_374 : i32 to index
        %swap3A_376 = arith.index_cast %mul3A_368 : i32 to index
        %swap3A_377 = tpu.vector_load %arg7[%swap3A_375, %swap3A_376] {strides = array<i32>} : memref<2x4096xf32, #tpu.memory_space<vmem>>, vector<16xf32>,
        tpu.vector_store %arg7[%swap3A_375, %swap3A_376], %gather3A_373 {strides = array<i32>} : memref<2x4096xf32, #tpu.memory_space<vmem>>, vector<16xf32>,
        %mul3A_378 = arith.constant 16 : i32
        %mul3A_379 = arith.muli %scan3A_320, %mul3A_378 : i32
        %add3A_380 = arith.constant 4 : i32
        %add3A_381 = arith.addi %mul3A_379, %add3A_380 : i32
        %mul3A_382 = arith.constant 16 : i32
        %mul3A_383 = arith.muli %add3A_381, %mul3A_382 : i32
        %get3A_384 = arith.constant 0 : i32
        %get3A_385 = arith.index_cast %get3A_384 : i32 to index
        %get3A_386 = arith.index_cast %mul3A_383 : i32 to index
        %get3A_387 = tpu.vector_load %arg6[%get3A_385, %get3A_386] {strides = array<i32>} : memref<2x4096xi32, #tpu.memory_space<vmem>>, vector<16xi32>,
        %gather3A_388 = tpu.vector_load_idx %arg5[%get3A_387] : memref<100000xf32, #tpu.memory_space<vmem>>[vector<16xi32>], vector<16xf32>,
        %swap3A_389 = arith.constant 0 : i32
        %swap3A_390 = arith.index_cast %swap3A_389 : i32 to index
        %swap3A_391 = arith.index_cast %mul3A_383 : i32 to index
        %swap3A_392 = tpu.vector_load %arg7[%swap3A_390, %swap3A_391] {strides = array<i32>} : memref<2x4096xf32, #tpu.memory_space<vmem>>, vector<16xf32>,
        tpu.vector_store %arg7[%swap3A_390, %swap3A_391], %gather3A_388 {strides = array<i32>} : memref<2x4096xf32, #tpu.memory_space<vmem>>, vector<16xf32>,
        %mul3A_393 = arith.constant 16 : i32
        %mul3A_394 = arith.muli %scan3A_320, %mul3A_393 : i32
        %add3A_395 = arith.constant 5 : i32
        %add3A_396 = arith.addi %mul3A_394, %add3A_395 : i32
        %mul3A_397 = arith.constant 16 : i32
        %mul3A_398 = arith.muli %add3A_396, %mul3A_397 : i32
        %get3A_399 = arith.constant 0 : i32
        %get3A_400 = arith.index_cast %get3A_399 : i32 to index
        %get3A_401 = arith.index_cast %mul3A_398 : i32 to index
        %get3A_402 = tpu.vector_load %arg6[%get3A_400, %get3A_401] {strides = array<i32>} : memref<2x4096xi32, #tpu.memory_space<vmem>>, vector<16xi32>,
        %gather3A_403 = tpu.vector_load_idx %arg5[%get3A_402] : memref<100000xf32, #tpu.memory_space<vmem>>[vector<16xi32>], vector<16xf32>,
        %swap3A_404 = arith.constant 0 : i32
        %swap3A_405 = arith.index_cast %swap3A_404 : i32 to index
        %swap3A_406 = arith.index_cast %mul3A_398 : i32 to index
        %swap3A_407 = tpu.vector_load %arg7[%swap3A_405, %swap3A_406] {strides = array<i32>} : memref<2x4096xf32, #tpu.memory_space<vmem>>, vector<16xf32>,
        tpu.vector_store %arg7[%swap3A_405, %swap3A_406], %gather3A_403 {strides = array<i32>} : memref<2x4096xf32, #tpu.memory_space<vmem>>, vector<16xf32>,
        %mul3A_408 = arith.constant 16 : i32
        %mul3A_409 = arith.muli %scan3A_320, %mul3A_408 : i32
        %add3A_410 = arith.constant 6 : i32
        %add3A_411 = arith.addi %mul3A_409, %add3A_410 : i32
        %mul3A_412 = arith.constant 16 : i32
        %mul3A_413 = arith.muli %add3A_411, %mul3A_412 : i32
        %get3A_414 = arith.constant 0 : i32
        %get3A_415 = arith.index_cast %get3A_414 : i32 to index
        %get3A_416 = arith.index_cast %mul3A_413 : i32 to index
        %get3A_417 = tpu.vector_load %arg6[%get3A_415, %get3A_416] {strides = array<i32>} : memref<2x4096xi32, #tpu.memory_space<vmem>>, vector<16xi32>,
        %gather3A_418 = tpu.vector_load_idx %arg5[%get3A_417] : memref<100000xf32, #tpu.memory_space<vmem>>[vector<16xi32>], vector<16xf32>,
        %swap3A_419 = arith.constant 0 : i32
        %swap3A_420 = arith.index_cast %swap3A_419 : i32 to index
        %swap3A_421 = arith.index_cast %mul3A_413 : i32 to index
        %swap3A_422 = tpu.vector_load %arg7[%swap3A_420, %swap3A_421] {strides = array<i32>} : memref<2x4096xf32, #tpu.memory_space<vmem>>, vector<16xf32>,
        tpu.vector_store %arg7[%swap3A_420, %swap3A_421], %gather3A_418 {strides = array<i32>} : memref<2x4096xf32, #tpu.memory_space<vmem>>, vector<16xf32>,
        %mul3A_423 = arith.constant 16 : i32
        %mul3A_424 = arith.muli %scan3A_320, %mul3A_423 : i32
        %add3A_425 = arith.constant 7 : i32
        %add3A_426 = arith.addi %mul3A_424, %add3A_425 : i32
        %mul3A_427 = arith.constant 16 : i32
        %mul3A_428 = arith.muli %add3A_426, %mul3A_427 : i32
        %get3A_429 = arith.constant 0 : i32
        %get3A_430 = arith.index_cast %get3A_429 : i32 to index
        %get3A_431 = arith.index_cast %mul3A_428 : i32 to index
        %get3A_432 = tpu.vector_load %arg6[%get3A_430, %get3A_431] {strides = array<i32>} : memref<2x4096xi32, #tpu.memory_space<vmem>>, vector<16xi32>,
        %gather3A_433 = tpu.vector_load_idx %arg5[%get3A_432] : memref<100000xf32, #tpu.memory_space<vmem>>[vector<16xi32>], vector<16xf32>,
        %swap3A_434 = arith.constant 0 : i32
        %swap3A_435 = arith.index_cast %swap3A_434 : i32 to index
        %swap3A_436 = arith.index_cast %mul3A_428 : i32 to index
        %swap3A_437 = tpu.vector_load %arg7[%swap3A_435, %swap3A_436] {strides = array<i32>} : memref<2x4096xf32, #tpu.memory_space<vmem>>, vector<16xf32>,
        tpu.vector_store %arg7[%swap3A_435, %swap3A_436], %gather3A_433 {strides = array<i32>} : memref<2x4096xf32, #tpu.memory_space<vmem>>, vector<16xf32>,
        %mul3A_438 = arith.constant 16 : i32
        %mul3A_439 = arith.muli %scan3A_320, %mul3A_438 : i32
        %add3A_440 = arith.constant 8 : i32
        %add3A_441 = arith.addi %mul3A_439, %add3A_440 : i32
        %mul3A_442 = arith.constant 16 : i32
        %mul3A_443 = arith.muli %add3A_441, %mul3A_442 : i32
        %get3A_444 = arith.constant 0 : i32
        %get3A_445 = arith.index_cast %get3A_444 : i32 to index
        %get3A_446 = arith.index_cast %mul3A_443 : i32 to index
        %get3A_447 = tpu.vector_load %arg6[%get3A_445, %get3A_446] {strides = array<i32>} : memref<2x4096xi32, #tpu.memory_space<vmem>>, vector<16xi32>,
        %gather3A_448 = tpu.vector_load_idx %arg5[%get3A_447] : memref<100000xf32, #tpu.memory_space<vmem>>[vector<16xi32>], vector<16xf32>,
        %swap3A_449 = arith.constant 0 : i32
        %swap3A_450 = arith.index_cast %swap3A_449 : i32 to index
        %swap3A_451 = arith.index_cast %mul3A_443 : i32 to index
        %swap3A_452 = tpu.vector_load %arg7[%swap3A_450, %swap3A_451] {strides = array<i32>} : memref<2x4096xf32, #tpu.memory_space<vmem>>, vector<16xf32>,
        tpu.vector_store %arg7[%swap3A_450, %swap3A_451], %gather3A_448 {strides = array<i32>} : memref<2x4096xf32, #tpu.memory_space<vmem>>, vector<16xf32>,
        %mul3A_453 = arith.constant 16 : i32
        %mul3A_454 = arith.muli %scan3A_320, %mul3A_453 : i32
        %add3A_455 = arith.constant 9 : i32
        %add3A_456 = arith.addi %mul3A_454, %add3A_455 : i32
        %mul3A_457 = arith.constant 16 : i32
        %mul3A_458 = arith.muli %add3A_456, %mul3A_457 : i32
        %get3A_459 = arith.constant 0 : i32
        %get3A_460 = arith.index_cast %get3A_459 : i32 to index
        %get3A_461 = arith.index_cast %mul3A_458 : i32 to index
        %get3A_462 = tpu.vector_load %arg6[%get3A_460, %get3A_461] {strides = array<i32>} : memref<2x4096xi32, #tpu.memory_space<vmem>>, vector<16xi32>,
        %gather3A_463 = tpu.vector_load_idx %arg5[%get3A_462] : memref<100000xf32, #tpu.memory_space<vmem>>[vector<16xi32>], vector<16xf32>,
        %swap3A_464 = arith.constant 0 : i32
        %swap3A_465 = arith.index_cast %swap3A_464 : i32 to index
        %swap3A_466 = arith.index_cast %mul3A_458 : i32 to index
        %swap3A_467 = tpu.vector_load %arg7[%swap3A_465, %swap3A_466] {strides = array<i32>} : memref<2x4096xf32, #tpu.memory_space<vmem>>, vector<16xf32>,
        tpu.vector_store %arg7[%swap3A_465, %swap3A_466], %gather3A_463 {strides = array<i32>} : memref<2x4096xf32, #tpu.memory_space<vmem>>, vector<16xf32>,
        %mul3A_468 = arith.constant 16 : i32
        %mul3A_469 = arith.muli %scan3A_320, %mul3A_468 : i32
        %add3A_470 = arith.constant 10 : i32
        %add3A_471 = arith.addi %mul3A_469, %add3A_470 : i32
        %mul3A_472 = arith.constant 16 : i32
        %mul3A_473 = arith.muli %add3A_471, %mul3A_472 : i32
        %get3A_474 = arith.constant 0 : i32
        %get3A_475 = arith.index_cast %get3A_474 : i32 to index
        %get3A_476 = arith.index_cast %mul3A_473 : i32 to index
        %get3A_477 = tpu.vector_load %arg6[%get3A_475, %get3A_476] {strides = array<i32>} : memref<2x4096xi32, #tpu.memory_space<vmem>>, vector<16xi32>,
        %gather3A_478 = tpu.vector_load_idx %arg5[%get3A_477] : memref<100000xf32, #tpu.memory_space<vmem>>[vector<16xi32>], vector<16xf32>,
        %swap3A_479 = arith.constant 0 : i32
        %swap3A_480 = arith.index_cast %swap3A_479 : i32 to index
        %swap3A_481 = arith.index_cast %mul3A_473 : i32 to index
        %swap3A_482 = tpu.vector_load %arg7[%swap3A_480, %swap3A_481] {strides = array<i32>} : memref<2x4096xf32, #tpu.memory_space<vmem>>, vector<16xf32>,
        tpu.vector_store %arg7[%swap3A_480, %swap3A_481], %gather3A_478 {strides = array<i32>} : memref<2x4096xf32, #tpu.memory_space<vmem>>, vector<16xf32>,
        %mul3A_483 = arith.constant 16 : i32
        %mul3A_484 = arith.muli %scan3A_320, %mul3A_483 : i32
        %add3A_485 = arith.constant 11 : i32
        %add3A_486 = arith.addi %mul3A_484, %add3A_485 : i32
        %mul3A_487 = arith.constant 16 : i32
        %mul3A_488 = arith.muli %add3A_486, %mul3A_487 : i32
        %get3A_489 = arith.constant 0 : i32
        %get3A_490 = arith.index_cast %get3A_489 : i32 to index
        %get3A_491 = arith.index_cast %mul3A_488 : i32 to index
        %get3A_492 = tpu.vector_load %arg6[%get3A_490, %get3A_491] {strides = array<i32>} : memref<2x4096xi32, #tpu.memory_space<vmem>>, vector<16xi32>,
        %gather3A_493 = tpu.vector_load_idx %arg5[%get3A_492] : memref<100000xf32, #tpu.memory_space<vmem>>[vector<16xi32>], vector<16xf32>,
        %swap3A_494 = arith.constant 0 : i32
        %swap3A_495 = arith.index_cast %swap3A_494 : i32 to index
        %swap3A_496 = arith.index_cast %mul3A_488 : i32 to index
        %swap3A_497 = tpu.vector_load %arg7[%swap3A_495, %swap3A_496] {strides = array<i32>} : memref<2x4096xf32, #tpu.memory_space<vmem>>, vector<16xf32>,
        tpu.vector_store %arg7[%swap3A_495, %swap3A_496], %gather3A_493 {strides = array<i32>} : memref<2x4096xf32, #tpu.memory_space<vmem>>, vector<16xf32>,
        %mul3A_498 = arith.constant 16 : i32
        %mul3A_499 = arith.muli %scan3A_320, %mul3A_498 : i32
        %add3A_500 = arith.constant 12 : i32
        %add3A_501 = arith.addi %mul3A_499, %add3A_500 : i32
        %mul3A_502 = arith.constant 16 : i32
        %mul3A_503 = arith.muli %add3A_501, %mul3A_502 : i32
        %get3A_504 = arith.constant 0 : i32
        %get3A_505 = arith.index_cast %get3A_504 : i32 to index
        %get3A_506 = arith.index_cast %mul3A_503 : i32 to index
        %get3A_507 = tpu.vector_load %arg6[%get3A_505, %get3A_506] {strides = array<i32>} : memref<2x4096xi32, #tpu.memory_space<vmem>>, vector<16xi32>,
        %gather3A_508 = tpu.vector_load_idx %arg5[%get3A_507] : memref<100000xf32, #tpu.memory_space<vmem>>[vector<16xi32>], vector<16xf32>,
        %swap3A_509 = arith.constant 0 : i32
        %swap3A_510 = arith.index_cast %swap3A_509 : i32 to index
        %swap3A_511 = arith.index_cast %mul3A_503 : i32 to index
        %swap3A_512 = tpu.vector_load %arg7[%swap3A_510, %swap3A_511] {strides = array<i32>} : memref<2x4096xf32, #tpu.memory_space<vmem>>, vector<16xf32>,
        tpu.vector_store %arg7[%swap3A_510, %swap3A_511], %gather3A_508 {strides = array<i32>} : memref<2x4096xf32, #tpu.memory_space<vmem>>, vector<16xf32>,
        %mul3A_513 = arith.constant 16 : i32
        %mul3A_514 = arith.muli %scan3A_320, %mul3A_513 : i32
        %add3A_515 = arith.constant 13 : i32
        %add3A_516 = arith.addi %mul3A_514, %add3A_515 : i32
        %mul3A_517 = arith.constant 16 : i32
        %mul3A_518 = arith.muli %add3A_516, %mul3A_517 : i32
        %get3A_519 = arith.constant 0 : i32
        %get3A_520 = arith.index_cast %get3A_519 : i32 to index
        %get3A_521 = arith.index_cast %mul3A_518 : i32 to index
        %get3A_522 = tpu.vector_load %arg6[%get3A_520, %get3A_521] {strides = array<i32>} : memref<2x4096xi32, #tpu.memory_space<vmem>>, vector<16xi32>,
        %gather3A_523 = tpu.vector_load_idx %arg5[%get3A_522] : memref<100000xf32, #tpu.memory_space<vmem>>[vector<16xi32>], vector<16xf32>,
        %swap3A_524 = arith.constant 0 : i32
        %swap3A_525 = arith.index_cast %swap3A_524 : i32 to index
        %swap3A_526 = arith.index_cast %mul3A_518 : i32 to index
        %swap3A_527 = tpu.vector_load %arg7[%swap3A_525, %swap3A_526] {strides = array<i32>} : memref<2x4096xf32, #tpu.memory_space<vmem>>, vector<16xf32>,
        tpu.vector_store %arg7[%swap3A_525, %swap3A_526], %gather3A_523 {strides = array<i32>} : memref<2x4096xf32, #tpu.memory_space<vmem>>, vector<16xf32>,
        %mul3A_528 = arith.constant 16 : i32
        %mul3A_529 = arith.muli %scan3A_320, %mul3A_528 : i32
        %add3A_530 = arith.constant 14 : i32
        %add3A_531 = arith.addi %mul3A_529, %add3A_530 : i32
        %mul3A_532 = arith.constant 16 : i32
        %mul3A_533 = arith.muli %add3A_531, %mul3A_532 : i32
        %get3A_534 = arith.constant 0 : i32
        %get3A_535 = arith.index_cast %get3A_534 : i32 to index
        %get3A_536 = arith.index_cast %mul3A_533 : i32 to index
        %get3A_537 = tpu.vector_load %arg6[%get3A_535, %get3A_536] {strides = array<i32>} : memref<2x4096xi32, #tpu.memory_space<vmem>>, vector<16xi32>,
        %gather3A_538 = tpu.vector_load_idx %arg5[%get3A_537] : memref<100000xf32, #tpu.memory_space<vmem>>[vector<16xi32>], vector<16xf32>,
        %swap3A_539 = arith.constant 0 : i32
        %swap3A_540 = arith.index_cast %swap3A_539 : i32 to index
        %swap3A_541 = arith.index_cast %mul3A_533 : i32 to index
        %swap3A_542 = tpu.vector_load %arg7[%swap3A_540, %swap3A_541] {strides = array<i32>} : memref<2x4096xf32, #tpu.memory_space<vmem>>, vector<16xf32>,
        tpu.vector_store %arg7[%swap3A_540, %swap3A_541], %gather3A_538 {strides = array<i32>} : memref<2x4096xf32, #tpu.memory_space<vmem>>, vector<16xf32>,
        %mul3A_543 = arith.constant 16 : i32
        %mul3A_544 = arith.muli %scan3A_320, %mul3A_543 : i32
        %add3A_545 = arith.constant 15 : i32
        %add3A_546 = arith.addi %mul3A_544, %add3A_545 : i32
        %mul3A_547 = arith.constant 16 : i32
        %mul3A_548 = arith.muli %add3A_546, %mul3A_547 : i32
        %get3A_549 = arith.constant 0 : i32
        %get3A_550 = arith.index_cast %get3A_549 : i32 to index
        %get3A_551 = arith.index_cast %mul3A_548 : i32 to index
        %get3A_552 = tpu.vector_load %arg6[%get3A_550, %get3A_551] {strides = array<i32>} : memref<2x4096xi32, #tpu.memory_space<vmem>>, vector<16xi32>,
        %gather3A_553 = tpu.vector_load_idx %arg5[%get3A_552] : memref<100000xf32, #tpu.memory_space<vmem>>[vector<16xi32>], vector<16xf32>,
        %swap3A_554 = arith.constant 0 : i32
        %swap3A_555 = arith.index_cast %swap3A_554 : i32 to index
        %swap3A_556 = arith.index_cast %mul3A_548 : i32 to index
        %swap3A_557 = tpu.vector_load %arg7[%swap3A_555, %swap3A_556] {strides = array<i32>} : memref<2x4096xf32, #tpu.memory_space<vmem>>, vector<16xf32>,
        tpu.vector_store %arg7[%swap3A_555, %swap3A_556], %gather3A_553 {strides = array<i32>} : memref<2x4096xf32, #tpu.memory_space<vmem>>, vector<16xf32>,
      }
      %scan3A_132 = arith.constant 16 : i32
      %dma_start3A_133 = arith.constant 0 : i32
      %dma_start3A_134 = arith.constant 0 : i32
      %dma_start3A_135 = tpu.memref_slice %arg7[%dma_start3A_133, %dma_start3A_134] : memref<2x4096xf32, #tpu.memory_space<vmem>> -> memref<1x4096xf32, #tpu.memory_space<vmem>>
      %dma_start3A_136 = tpu.memref_squeeze %dma_start3A_135 : memref<1x4096xf32, #tpu.memory_space<vmem>> -> memref<4096xf32, #tpu.memory_space<vmem>>
      %dma_start3A_137 = arith.constant 0 : i32
      %dma_start3A_138 = tpu.memref_slice %arg4[%add3A_100, %dma_start3A_137] : memref<832x16384xf32, #tpu.memory_space<hbm>> -> memref<1x4096xf32, #tpu.memory_space<hbm>>
      %dma_start3A_139 = tpu.memref_squeeze %dma_start3A_138 : memref<1x4096xf32, #tpu.memory_space<hbm>> -> memref<4096xf32, #tpu.memory_space<hbm>>
      %dma_start3A_140 = arith.constant 0 : i32
      %dma_start3A_141 = tpu.memref_slice %arg4[%add3A_100, %dma_start3A_140] : memref<832x16384xf32, #tpu.memory_space<hbm>> -> memref<1x4096xf32, #tpu.memory_space<hbm>>
      %dma_start3A_142 = tpu.memref_squeeze %dma_start3A_141 : memref<1x4096xf32, #tpu.memory_space<hbm>> -> memref<4096xf32, #tpu.memory_space<hbm>>
      %dma_start3A_143 = arith.constant 0 : i32
      %dma_start3A_144 = tpu.memref_slice %arg7[%dma_start3A_133, %dma_start3A_143] : memref<2x4096xf32, #tpu.memory_space<vmem>> -> memref<1x4096xf32, #tpu.memory_space<vmem>>
      %dma_start3A_145 = tpu.memref_squeeze %dma_start3A_144 : memref<1x4096xf32, #tpu.memory_space<vmem>> -> memref<4096xf32, #tpu.memory_space<vmem>>
      tpu.enqueue_dma source(%dma_start3A_145 : memref<4096xf32, #tpu.memory_space<vmem>>) target(%dma_start3A_142 : memref<4096xf32, #tpu.memory_space<hbm>>) target_semaphore(%arg9 : memref<!tpu.dma_semaphore, #tpu.memory_space<semaphore_mem>>)
      %dma_wait3A_146 = arith.constant 1 : i32
      %dma_wait3A_147 = arith.constant 0 : i32
      %dma_wait3A_148 = tpu.memref_slice %arg6[%dma_wait3A_146, %dma_wait3A_147] : memref<2x4096xi32, #tpu.memory_space<vmem>> -> memref<1x4096xi32, #tpu.memory_space<vmem>>
      %dma_wait3A_149 = tpu.memref_squeeze %dma_wait3A_148 : memref<1x4096xi32, #tpu.memory_space<vmem>> -> memref<4096xi32, #tpu.memory_space<vmem>>
      %dma_wait3A_150 = arith.constant 4096 : i32
      %dma_wait3A_151 = tpu.memref_slice %arg2[%scan3A_6, %dma_wait3A_150] : memref<26x16384xi32, #tpu.memory_space<hbm>> -> memref<1x4096xi32, #tpu.memory_space<hbm>>
      %dma_wait3A_152 = tpu.memref_squeeze %dma_wait3A_151 : memref<1x4096xi32, #tpu.memory_space<hbm>> -> memref<4096xi32, #tpu.memory_space<hbm>>
      %dma_wait3A_153 = arith.constant 0 : i32
      %dma_wait3A_154 = tpu.memref_slice %arg6[%dma_wait3A_146, %dma_wait3A_153] : memref<2x4096xi32, #tpu.memory_space<vmem>> -> memref<1x4096xi32, #tpu.memory_space<vmem>>
      %dma_wait3A_155 = tpu.memref_squeeze %dma_wait3A_154 : memref<1x4096xi32, #tpu.memory_space<vmem>> -> memref<4096xi32, #tpu.memory_space<vmem>>
      %dma_wait3A_156 = arith.constant 4096 : i32
      %dma_wait3A_157 = tpu.memref_slice %arg2[%scan3A_6, %dma_wait3A_156] : memref<26x16384xi32, #tpu.memory_space<hbm>> -> memref<1x4096xi32, #tpu.memory_space<hbm>>
      %dma_wait3A_158 = tpu.memref_squeeze %dma_wait3A_157 : memref<1x4096xi32, #tpu.memory_space<hbm>> -> memref<4096xi32, #tpu.memory_space<hbm>>
      tpu.wait_dma2 semaphore(%arg8 : memref<!tpu.dma_semaphore, #tpu.memory_space<semaphore_mem>>) src(%dma_wait3A_158 : memref<4096xi32, #tpu.memory_space<hbm>>) dst(%dma_wait3A_155 : memref<4096xi32, #tpu.memory_space<vmem>>)
      %dma_start3A_159 = arith.constant 0 : i32
      %dma_start3A_160 = arith.constant 0 : i32
      %dma_start3A_161 = tpu.memref_slice %arg6[%dma_start3A_159, %dma_start3A_160] : memref<2x4096xi32, #tpu.memory_space<vmem>> -> memref<1x4096xi32, #tpu.memory_space<vmem>>
      %dma_start3A_162 = tpu.memref_squeeze %dma_start3A_161 : memref<1x4096xi32, #tpu.memory_space<vmem>> -> memref<4096xi32, #tpu.memory_space<vmem>>
      %dma_start3A_163 = arith.constant 8192 : i32
      %dma_start3A_164 = tpu.memref_slice %arg2[%scan3A_6, %dma_start3A_163] : memref<26x16384xi32, #tpu.memory_space<hbm>> -> memref<1x4096xi32, #tpu.memory_space<hbm>>
      %dma_start3A_165 = tpu.memref_squeeze %dma_start3A_164 : memref<1x4096xi32, #tpu.memory_space<hbm>> -> memref<4096xi32, #tpu.memory_space<hbm>>
      %dma_start3A_166 = arith.constant 0 : i32
      %dma_start3A_167 = tpu.memref_slice %arg6[%dma_start3A_159, %dma_start3A_166] : memref<2x4096xi32, #tpu.memory_space<vmem>> -> memref<1x4096xi32, #tpu.memory_space<vmem>>
      %dma_start3A_168 = tpu.memref_squeeze %dma_start3A_167 : memref<1x4096xi32, #tpu.memory_space<vmem>> -> memref<4096xi32, #tpu.memory_space<vmem>>
      %dma_start3A_169 = arith.constant 8192 : i32
      %dma_start3A_170 = tpu.memref_slice %arg2[%scan3A_6, %dma_start3A_169] : memref<26x16384xi32, #tpu.memory_space<hbm>> -> memref<1x4096xi32, #tpu.memory_space<hbm>>
      %dma_start3A_171 = tpu.memref_squeeze %dma_start3A_170 : memref<1x4096xi32, #tpu.memory_space<hbm>> -> memref<4096xi32, #tpu.memory_space<hbm>>
      tpu.enqueue_dma source(%dma_start3A_171 : memref<4096xi32, #tpu.memory_space<hbm>>) target(%dma_start3A_168 : memref<4096xi32, #tpu.memory_space<vmem>>) target_semaphore(%arg8 : memref<!tpu.dma_semaphore, #tpu.memory_space<semaphore_mem>>)
      %scan3A_172 = arith.constant 0 : i32
      %scan3A_173 = arith.constant 0 : i32
      %scan3A_174 = arith.constant 16 : i32
      %scan3A_175 = arith.addi %scan3A_173, %scan3A_174 : i32
      %scan3A_176 = arith.constant 1 : i32
      scf.for %scan3A_320 = %scan3A_173 to %scan3A_175 step %scan3A_176  : i32 {
        %mul3A_321 = arith.constant 16 : i32
        %mul3A_322 = arith.muli %scan3A_320, %mul3A_321 : i32
        %add3A_323 = arith.constant 0 : i32
        %add3A_324 = arith.addi %mul3A_322, %add3A_323 : i32
        %mul3A_325 = arith.constant 16 : i32
        %mul3A_326 = arith.muli %add3A_324, %mul3A_325 : i32
        %get3A = arith.constant 1 : i32
        %get3A_327 = arith.index_cast %get3A : i32 to index
        %get3A_328 = arith.index_cast %mul3A_326 : i32 to index
        %get3A_329 = tpu.vector_load %arg6[%get3A_327, %get3A_328] {strides = array<i32>} : memref<2x4096xi32, #tpu.memory_space<vmem>>, vector<16xi32>,
        %gather3A = tpu.vector_load_idx %arg5[%get3A_329] : memref<100000xf32, #tpu.memory_space<vmem>>[vector<16xi32>], vector<16xf32>,
        %swap3A = arith.constant 1 : i32
        %swap3A_330 = arith.index_cast %swap3A : i32 to index
        %swap3A_331 = arith.index_cast %mul3A_326 : i32 to index
        %swap3A_332 = tpu.vector_load %arg7[%swap3A_330, %swap3A_331] {strides = array<i32>} : memref<2x4096xf32, #tpu.memory_space<vmem>>, vector<16xf32>,
        tpu.vector_store %arg7[%swap3A_330, %swap3A_331], %gather3A {strides = array<i32>} : memref<2x4096xf32, #tpu.memory_space<vmem>>, vector<16xf32>,
        %mul3A_333 = arith.constant 16 : i32
        %mul3A_334 = arith.muli %scan3A_320, %mul3A_333 : i32
        %add3A_335 = arith.constant 1 : i32
        %add3A_336 = arith.addi %mul3A_334, %add3A_335 : i32
        %mul3A_337 = arith.constant 16 : i32
        %mul3A_338 = arith.muli %add3A_336, %mul3A_337 : i32
        %get3A_339 = arith.constant 1 : i32
        %get3A_340 = arith.index_cast %get3A_339 : i32 to index
        %get3A_341 = arith.index_cast %mul3A_338 : i32 to index
        %get3A_342 = tpu.vector_load %arg6[%get3A_340, %get3A_341] {strides = array<i32>} : memref<2x4096xi32, #tpu.memory_space<vmem>>, vector<16xi32>,
        %gather3A_343 = tpu.vector_load_idx %arg5[%get3A_342] : memref<100000xf32, #tpu.memory_space<vmem>>[vector<16xi32>], vector<16xf32>,
        %swap3A_344 = arith.constant 1 : i32
        %swap3A_345 = arith.index_cast %swap3A_344 : i32 to index
        %swap3A_346 = arith.index_cast %mul3A_338 : i32 to index
        %swap3A_347 = tpu.vector_load %arg7[%swap3A_345, %swap3A_346] {strides = array<i32>} : memref<2x4096xf32, #tpu.memory_space<vmem>>, vector<16xf32>,
        tpu.vector_store %arg7[%swap3A_345, %swap3A_346], %gather3A_343 {strides = array<i32>} : memref<2x4096xf32, #tpu.memory_space<vmem>>, vector<16xf32>,
        %mul3A_348 = arith.constant 16 : i32
        %mul3A_349 = arith.muli %scan3A_320, %mul3A_348 : i32
        %add3A_350 = arith.constant 2 : i32
        %add3A_351 = arith.addi %mul3A_349, %add3A_350 : i32
        %mul3A_352 = arith.constant 16 : i32
        %mul3A_353 = arith.muli %add3A_351, %mul3A_352 : i32
        %get3A_354 = arith.constant 1 : i32
        %get3A_355 = arith.index_cast %get3A_354 : i32 to index
        %get3A_356 = arith.index_cast %mul3A_353 : i32 to index
        %get3A_357 = tpu.vector_load %arg6[%get3A_355, %get3A_356] {strides = array<i32>} : memref<2x4096xi32, #tpu.memory_space<vmem>>, vector<16xi32>,
        %gather3A_358 = tpu.vector_load_idx %arg5[%get3A_357] : memref<100000xf32, #tpu.memory_space<vmem>>[vector<16xi32>], vector<16xf32>,
        %swap3A_359 = arith.constant 1 : i32
        %swap3A_360 = arith.index_cast %swap3A_359 : i32 to index
        %swap3A_361 = arith.index_cast %mul3A_353 : i32 to index
        %swap3A_362 = tpu.vector_load %arg7[%swap3A_360, %swap3A_361] {strides = array<i32>} : memref<2x4096xf32, #tpu.memory_space<vmem>>, vector<16xf32>,
        tpu.vector_store %arg7[%swap3A_360, %swap3A_361], %gather3A_358 {strides = array<i32>} : memref<2x4096xf32, #tpu.memory_space<vmem>>, vector<16xf32>,
        %mul3A_363 = arith.constant 16 : i32
        %mul3A_364 = arith.muli %scan3A_320, %mul3A_363 : i32
        %add3A_365 = arith.constant 3 : i32
        %add3A_366 = arith.addi %mul3A_364, %add3A_365 : i32
        %mul3A_367 = arith.constant 16 : i32
        %mul3A_368 = arith.muli %add3A_366, %mul3A_367 : i32
        %get3A_369 = arith.constant 1 : i32
        %get3A_370 = arith.index_cast %get3A_369 : i32 to index
        %get3A_371 = arith.index_cast %mul3A_368 : i32 to index
        %get3A_372 = tpu.vector_load %arg6[%get3A_370, %get3A_371] {strides = array<i32>} : memref<2x4096xi32, #tpu.memory_space<vmem>>, vector<16xi32>,
        %gather3A_373 = tpu.vector_load_idx %arg5[%get3A_372] : memref<100000xf32, #tpu.memory_space<vmem>>[vector<16xi32>], vector<16xf32>,
        %swap3A_374 = arith.constant 1 : i32
        %swap3A_375 = arith.index_cast %swap3A_374 : i32 to index
        %swap3A_376 = arith.index_cast %mul3A_368 : i32 to index
        %swap3A_377 = tpu.vector_load %arg7[%swap3A_375, %swap3A_376] {strides = array<i32>} : memref<2x4096xf32, #tpu.memory_space<vmem>>, vector<16xf32>,
        tpu.vector_store %arg7[%swap3A_375, %swap3A_376], %gather3A_373 {strides = array<i32>} : memref<2x4096xf32, #tpu.memory_space<vmem>>, vector<16xf32>,
        %mul3A_378 = arith.constant 16 : i32
        %mul3A_379 = arith.muli %scan3A_320, %mul3A_378 : i32
        %add3A_380 = arith.constant 4 : i32
        %add3A_381 = arith.addi %mul3A_379, %add3A_380 : i32
        %mul3A_382 = arith.constant 16 : i32
        %mul3A_383 = arith.muli %add3A_381, %mul3A_382 : i32
        %get3A_384 = arith.constant 1 : i32
        %get3A_385 = arith.index_cast %get3A_384 : i32 to index
        %get3A_386 = arith.index_cast %mul3A_383 : i32 to index
        %get3A_387 = tpu.vector_load %arg6[%get3A_385, %get3A_386] {strides = array<i32>} : memref<2x4096xi32, #tpu.memory_space<vmem>>, vector<16xi32>,
        %gather3A_388 = tpu.vector_load_idx %arg5[%get3A_387] : memref<100000xf32, #tpu.memory_space<vmem>>[vector<16xi32>], vector<16xf32>,
        %swap3A_389 = arith.constant 1 : i32
        %swap3A_390 = arith.index_cast %swap3A_389 : i32 to index
        %swap3A_391 = arith.index_cast %mul3A_383 : i32 to index
        %swap3A_392 = tpu.vector_load %arg7[%swap3A_390, %swap3A_391] {strides = array<i32>} : memref<2x4096xf32, #tpu.memory_space<vmem>>, vector<16xf32>,
        tpu.vector_store %arg7[%swap3A_390, %swap3A_391], %gather3A_388 {strides = array<i32>} : memref<2x4096xf32, #tpu.memory_space<vmem>>, vector<16xf32>,
        %mul3A_393 = arith.constant 16 : i32
        %mul3A_394 = arith.muli %scan3A_320, %mul3A_393 : i32
        %add3A_395 = arith.constant 5 : i32
        %add3A_396 = arith.addi %mul3A_394, %add3A_395 : i32
        %mul3A_397 = arith.constant 16 : i32
        %mul3A_398 = arith.muli %add3A_396, %mul3A_397 : i32
        %get3A_399 = arith.constant 1 : i32
        %get3A_400 = arith.index_cast %get3A_399 : i32 to index
        %get3A_401 = arith.index_cast %mul3A_398 : i32 to index
        %get3A_402 = tpu.vector_load %arg6[%get3A_400, %get3A_401] {strides = array<i32>} : memref<2x4096xi32, #tpu.memory_space<vmem>>, vector<16xi32>,
        %gather3A_403 = tpu.vector_load_idx %arg5[%get3A_402] : memref<100000xf32, #tpu.memory_space<vmem>>[vector<16xi32>], vector<16xf32>,
        %swap3A_404 = arith.constant 1 : i32
        %swap3A_405 = arith.index_cast %swap3A_404 : i32 to index
        %swap3A_406 = arith.index_cast %mul3A_398 : i32 to index
        %swap3A_407 = tpu.vector_load %arg7[%swap3A_405, %swap3A_406] {strides = array<i32>} : memref<2x4096xf32, #tpu.memory_space<vmem>>, vector<16xf32>,
        tpu.vector_store %arg7[%swap3A_405, %swap3A_406], %gather3A_403 {strides = array<i32>} : memref<2x4096xf32, #tpu.memory_space<vmem>>, vector<16xf32>,
        %mul3A_408 = arith.constant 16 : i32
        %mul3A_409 = arith.muli %scan3A_320, %mul3A_408 : i32
        %add3A_410 = arith.constant 6 : i32
        %add3A_411 = arith.addi %mul3A_409, %add3A_410 : i32
        %mul3A_412 = arith.constant 16 : i32
        %mul3A_413 = arith.muli %add3A_411, %mul3A_412 : i32
        %get3A_414 = arith.constant 1 : i32
        %get3A_415 = arith.index_cast %get3A_414 : i32 to index
        %get3A_416 = arith.index_cast %mul3A_413 : i32 to index
        %get3A_417 = tpu.vector_load %arg6[%get3A_415, %get3A_416] {strides = array<i32>} : memref<2x4096xi32, #tpu.memory_space<vmem>>, vector<16xi32>,
        %gather3A_418 = tpu.vector_load_idx %arg5[%get3A_417] : memref<100000xf32, #tpu.memory_space<vmem>>[vector<16xi32>], vector<16xf32>,
        %swap3A_419 = arith.constant 1 : i32
        %swap3A_420 = arith.index_cast %swap3A_419 : i32 to index
        %swap3A_421 = arith.index_cast %mul3A_413 : i32 to index
        %swap3A_422 = tpu.vector_load %arg7[%swap3A_420, %swap3A_421] {strides = array<i32>} : memref<2x4096xf32, #tpu.memory_space<vmem>>, vector<16xf32>,
        tpu.vector_store %arg7[%swap3A_420, %swap3A_421], %gather3A_418 {strides = array<i32>} : memref<2x4096xf32, #tpu.memory_space<vmem>>, vector<16xf32>,
        %mul3A_423 = arith.constant 16 : i32
        %mul3A_424 = arith.muli %scan3A_320, %mul3A_423 : i32
        %add3A_425 = arith.constant 7 : i32
        %add3A_426 = arith.addi %mul3A_424, %add3A_425 : i32
        %mul3A_427 = arith.constant 16 : i32
        %mul3A_428 = arith.muli %add3A_426, %mul3A_427 : i32
        %get3A_429 = arith.constant 1 : i32
        %get3A_430 = arith.index_cast %get3A_429 : i32 to index
        %get3A_431 = arith.index_cast %mul3A_428 : i32 to index
        %get3A_432 = tpu.vector_load %arg6[%get3A_430, %get3A_431] {strides = array<i32>} : memref<2x4096xi32, #tpu.memory_space<vmem>>, vector<16xi32>,
        %gather3A_433 = tpu.vector_load_idx %arg5[%get3A_432] : memref<100000xf32, #tpu.memory_space<vmem>>[vector<16xi32>], vector<16xf32>,
        %swap3A_434 = arith.constant 1 : i32
        %swap3A_435 = arith.index_cast %swap3A_434 : i32 to index
        %swap3A_436 = arith.index_cast %mul3A_428 : i32 to index
        %swap3A_437 = tpu.vector_load %arg7[%swap3A_435, %swap3A_436] {strides = array<i32>} : memref<2x4096xf32, #tpu.memory_space<vmem>>, vector<16xf32>,
        tpu.vector_store %arg7[%swap3A_435, %swap3A_436], %gather3A_433 {strides = array<i32>} : memref<2x4096xf32, #tpu.memory_space<vmem>>, vector<16xf32>,
        %mul3A_438 = arith.constant 16 : i32
        %mul3A_439 = arith.muli %scan3A_320, %mul3A_438 : i32
        %add3A_440 = arith.constant 8 : i32
        %add3A_441 = arith.addi %mul3A_439, %add3A_440 : i32
        %mul3A_442 = arith.constant 16 : i32
        %mul3A_443 = arith.muli %add3A_441, %mul3A_442 : i32
        %get3A_444 = arith.constant 1 : i32
        %get3A_445 = arith.index_cast %get3A_444 : i32 to index
        %get3A_446 = arith.index_cast %mul3A_443 : i32 to index
        %get3A_447 = tpu.vector_load %arg6[%get3A_445, %get3A_446] {strides = array<i32>} : memref<2x4096xi32, #tpu.memory_space<vmem>>, vector<16xi32>,
        %gather3A_448 = tpu.vector_load_idx %arg5[%get3A_447] : memref<100000xf32, #tpu.memory_space<vmem>>[vector<16xi32>], vector<16xf32>,
        %swap3A_449 = arith.constant 1 : i32
        %swap3A_450 = arith.index_cast %swap3A_449 : i32 to index
        %swap3A_451 = arith.index_cast %mul3A_443 : i32 to index
        %swap3A_452 = tpu.vector_load %arg7[%swap3A_450, %swap3A_451] {strides = array<i32>} : memref<2x4096xf32, #tpu.memory_space<vmem>>, vector<16xf32>,
        tpu.vector_store %arg7[%swap3A_450, %swap3A_451], %gather3A_448 {strides = array<i32>} : memref<2x4096xf32, #tpu.memory_space<vmem>>, vector<16xf32>,
        %mul3A_453 = arith.constant 16 : i32
        %mul3A_454 = arith.muli %scan3A_320, %mul3A_453 : i32
        %add3A_455 = arith.constant 9 : i32
        %add3A_456 = arith.addi %mul3A_454, %add3A_455 : i32
        %mul3A_457 = arith.constant 16 : i32
        %mul3A_458 = arith.muli %add3A_456, %mul3A_457 : i32
        %get3A_459 = arith.constant 1 : i32
        %get3A_460 = arith.index_cast %get3A_459 : i32 to index
        %get3A_461 = arith.index_cast %mul3A_458 : i32 to index
        %get3A_462 = tpu.vector_load %arg6[%get3A_460, %get3A_461] {strides = array<i32>} : memref<2x4096xi32, #tpu.memory_space<vmem>>, vector<16xi32>,
        %gather3A_463 = tpu.vector_load_idx %arg5[%get3A_462] : memref<100000xf32, #tpu.memory_space<vmem>>[vector<16xi32>], vector<16xf32>,
        %swap3A_464 = arith.constant 1 : i32
        %swap3A_465 = arith.index_cast %swap3A_464 : i32 to index
        %swap3A_466 = arith.index_cast %mul3A_458 : i32 to index
        %swap3A_467 = tpu.vector_load %arg7[%swap3A_465, %swap3A_466] {strides = array<i32>} : memref<2x4096xf32, #tpu.memory_space<vmem>>, vector<16xf32>,
        tpu.vector_store %arg7[%swap3A_465, %swap3A_466], %gather3A_463 {strides = array<i32>} : memref<2x4096xf32, #tpu.memory_space<vmem>>, vector<16xf32>,
        %mul3A_468 = arith.constant 16 : i32
        %mul3A_469 = arith.muli %scan3A_320, %mul3A_468 : i32
        %add3A_470 = arith.constant 10 : i32
        %add3A_471 = arith.addi %mul3A_469, %add3A_470 : i32
        %mul3A_472 = arith.constant 16 : i32
        %mul3A_473 = arith.muli %add3A_471, %mul3A_472 : i32
        %get3A_474 = arith.constant 1 : i32
        %get3A_475 = arith.index_cast %get3A_474 : i32 to index
        %get3A_476 = arith.index_cast %mul3A_473 : i32 to index
        %get3A_477 = tpu.vector_load %arg6[%get3A_475, %get3A_476] {strides = array<i32>} : memref<2x4096xi32, #tpu.memory_space<vmem>>, vector<16xi32>,
        %gather3A_478 = tpu.vector_load_idx %arg5[%get3A_477] : memref<100000xf32, #tpu.memory_space<vmem>>[vector<16xi32>], vector<16xf32>,
        %swap3A_479 = arith.constant 1 : i32
        %swap3A_480 = arith.index_cast %swap3A_479 : i32 to index
        %swap3A_481 = arith.index_cast %mul3A_473 : i32 to index
        %swap3A_482 = tpu.vector_load %arg7[%swap3A_480, %swap3A_481] {strides = array<i32>} : memref<2x4096xf32, #tpu.memory_space<vmem>>, vector<16xf32>,
        tpu.vector_store %arg7[%swap3A_480, %swap3A_481], %gather3A_478 {strides = array<i32>} : memref<2x4096xf32, #tpu.memory_space<vmem>>, vector<16xf32>,
        %mul3A_483 = arith.constant 16 : i32
        %mul3A_484 = arith.muli %scan3A_320, %mul3A_483 : i32
        %add3A_485 = arith.constant 11 : i32
        %add3A_486 = arith.addi %mul3A_484, %add3A_485 : i32
        %mul3A_487 = arith.constant 16 : i32
        %mul3A_488 = arith.muli %add3A_486, %mul3A_487 : i32
        %get3A_489 = arith.constant 1 : i32
        %get3A_490 = arith.index_cast %get3A_489 : i32 to index
        %get3A_491 = arith.index_cast %mul3A_488 : i32 to index
        %get3A_492 = tpu.vector_load %arg6[%get3A_490, %get3A_491] {strides = array<i32>} : memref<2x4096xi32, #tpu.memory_space<vmem>>, vector<16xi32>,
        %gather3A_493 = tpu.vector_load_idx %arg5[%get3A_492] : memref<100000xf32, #tpu.memory_space<vmem>>[vector<16xi32>], vector<16xf32>,
        %swap3A_494 = arith.constant 1 : i32
        %swap3A_495 = arith.index_cast %swap3A_494 : i32 to index
        %swap3A_496 = arith.index_cast %mul3A_488 : i32 to index
        %swap3A_497 = tpu.vector_load %arg7[%swap3A_495, %swap3A_496] {strides = array<i32>} : memref<2x4096xf32, #tpu.memory_space<vmem>>, vector<16xf32>,
        tpu.vector_store %arg7[%swap3A_495, %swap3A_496], %gather3A_493 {strides = array<i32>} : memref<2x4096xf32, #tpu.memory_space<vmem>>, vector<16xf32>,
        %mul3A_498 = arith.constant 16 : i32
        %mul3A_499 = arith.muli %scan3A_320, %mul3A_498 : i32
        %add3A_500 = arith.constant 12 : i32
        %add3A_501 = arith.addi %mul3A_499, %add3A_500 : i32
        %mul3A_502 = arith.constant 16 : i32
        %mul3A_503 = arith.muli %add3A_501, %mul3A_502 : i32
        %get3A_504 = arith.constant 1 : i32
        %get3A_505 = arith.index_cast %get3A_504 : i32 to index
        %get3A_506 = arith.index_cast %mul3A_503 : i32 to index
        %get3A_507 = tpu.vector_load %arg6[%get3A_505, %get3A_506] {strides = array<i32>} : memref<2x4096xi32, #tpu.memory_space<vmem>>, vector<16xi32>,
        %gather3A_508 = tpu.vector_load_idx %arg5[%get3A_507] : memref<100000xf32, #tpu.memory_space<vmem>>[vector<16xi32>], vector<16xf32>,
        %swap3A_509 = arith.constant 1 : i32
        %swap3A_510 = arith.index_cast %swap3A_509 : i32 to index
        %swap3A_511 = arith.index_cast %mul3A_503 : i32 to index
        %swap3A_512 = tpu.vector_load %arg7[%swap3A_510, %swap3A_511] {strides = array<i32>} : memref<2x4096xf32, #tpu.memory_space<vmem>>, vector<16xf32>,
        tpu.vector_store %arg7[%swap3A_510, %swap3A_511], %gather3A_508 {strides = array<i32>} : memref<2x4096xf32, #tpu.memory_space<vmem>>, vector<16xf32>,
        %mul3A_513 = arith.constant 16 : i32
        %mul3A_514 = arith.muli %scan3A_320, %mul3A_513 : i32
        %add3A_515 = arith.constant 13 : i32
        %add3A_516 = arith.addi %mul3A_514, %add3A_515 : i32
        %mul3A_517 = arith.constant 16 : i32
        %mul3A_518 = arith.muli %add3A_516, %mul3A_517 : i32
        %get3A_519 = arith.constant 1 : i32
        %get3A_520 = arith.index_cast %get3A_519 : i32 to index
        %get3A_521 = arith.index_cast %mul3A_518 : i32 to index
        %get3A_522 = tpu.vector_load %arg6[%get3A_520, %get3A_521] {strides = array<i32>} : memref<2x4096xi32, #tpu.memory_space<vmem>>, vector<16xi32>,
        %gather3A_523 = tpu.vector_load_idx %arg5[%get3A_522] : memref<100000xf32, #tpu.memory_space<vmem>>[vector<16xi32>], vector<16xf32>,
        %swap3A_524 = arith.constant 1 : i32
        %swap3A_525 = arith.index_cast %swap3A_524 : i32 to index
        %swap3A_526 = arith.index_cast %mul3A_518 : i32 to index
        %swap3A_527 = tpu.vector_load %arg7[%swap3A_525, %swap3A_526] {strides = array<i32>} : memref<2x4096xf32, #tpu.memory_space<vmem>>, vector<16xf32>,
        tpu.vector_store %arg7[%swap3A_525, %swap3A_526], %gather3A_523 {strides = array<i32>} : memref<2x4096xf32, #tpu.memory_space<vmem>>, vector<16xf32>,
        %mul3A_528 = arith.constant 16 : i32
        %mul3A_529 = arith.muli %scan3A_320, %mul3A_528 : i32
        %add3A_530 = arith.constant 14 : i32
        %add3A_531 = arith.addi %mul3A_529, %add3A_530 : i32
        %mul3A_532 = arith.constant 16 : i32
        %mul3A_533 = arith.muli %add3A_531, %mul3A_532 : i32
        %get3A_534 = arith.constant 1 : i32
        %get3A_535 = arith.index_cast %get3A_534 : i32 to index
        %get3A_536 = arith.index_cast %mul3A_533 : i32 to index
        %get3A_537 = tpu.vector_load %arg6[%get3A_535, %get3A_536] {strides = array<i32>} : memref<2x4096xi32, #tpu.memory_space<vmem>>, vector<16xi32>,
        %gather3A_538 = tpu.vector_load_idx %arg5[%get3A_537] : memref<100000xf32, #tpu.memory_space<vmem>>[vector<16xi32>], vector<16xf32>,
        %swap3A_539 = arith.constant 1 : i32
        %swap3A_540 = arith.index_cast %swap3A_539 : i32 to index
        %swap3A_541 = arith.index_cast %mul3A_533 : i32 to index
        %swap3A_542 = tpu.vector_load %arg7[%swap3A_540, %swap3A_541] {strides = array<i32>} : memref<2x4096xf32, #tpu.memory_space<vmem>>, vector<16xf32>,
        tpu.vector_store %arg7[%swap3A_540, %swap3A_541], %gather3A_538 {strides = array<i32>} : memref<2x4096xf32, #tpu.memory_space<vmem>>, vector<16xf32>,
        %mul3A_543 = arith.constant 16 : i32
        %mul3A_544 = arith.muli %scan3A_320, %mul3A_543 : i32
        %add3A_545 = arith.constant 15 : i32
        %add3A_546 = arith.addi %mul3A_544, %add3A_545 : i32
        %mul3A_547 = arith.constant 16 : i32
        %mul3A_548 = arith.muli %add3A_546, %mul3A_547 : i32
        %get3A_549 = arith.constant 1 : i32
        %get3A_550 = arith.index_cast %get3A_549 : i32 to index
        %get3A_551 = arith.index_cast %mul3A_548 : i32 to index
        %get3A_552 = tpu.vector_load %arg6[%get3A_550, %get3A_551] {strides = array<i32>} : memref<2x4096xi32, #tpu.memory_space<vmem>>, vector<16xi32>,
        %gather3A_553 = tpu.vector_load_idx %arg5[%get3A_552] : memref<100000xf32, #tpu.memory_space<vmem>>[vector<16xi32>], vector<16xf32>,
        %swap3A_554 = arith.constant 1 : i32
        %swap3A_555 = arith.index_cast %swap3A_554 : i32 to index
        %swap3A_556 = arith.index_cast %mul3A_548 : i32 to index
        %swap3A_557 = tpu.vector_load %arg7[%swap3A_555, %swap3A_556] {strides = array<i32>} : memref<2x4096xf32, #tpu.memory_space<vmem>>, vector<16xf32>,
        tpu.vector_store %arg7[%swap3A_555, %swap3A_556], %gather3A_553 {strides = array<i32>} : memref<2x4096xf32, #tpu.memory_space<vmem>>, vector<16xf32>,
      }
      %scan3A_177 = arith.constant 16 : i32
      %dma_start3A_178 = arith.constant 1 : i32
      %dma_start3A_179 = arith.constant 0 : i32
      %dma_start3A_180 = tpu.memref_slice %arg7[%dma_start3A_178, %dma_start3A_179] : memref<2x4096xf32, #tpu.memory_space<vmem>> -> memref<1x4096xf32, #tpu.memory_space<vmem>>
      %dma_start3A_181 = tpu.memref_squeeze %dma_start3A_180 : memref<1x4096xf32, #tpu.memory_space<vmem>> -> memref<4096xf32, #tpu.memory_space<vmem>>
      %dma_start3A_182 = arith.constant 4096 : i32
      %dma_start3A_183 = tpu.memref_slice %arg4[%add3A_100, %dma_start3A_182] : memref<832x16384xf32, #tpu.memory_space<hbm>> -> memref<1x4096xf32, #tpu.memory_space<hbm>>
      %dma_start3A_184 = tpu.memref_squeeze %dma_start3A_183 : memref<1x4096xf32, #tpu.memory_space<hbm>> -> memref<4096xf32, #tpu.memory_space<hbm>>
      %dma_start3A_185 = arith.constant 4096 : i32
      %dma_start3A_186 = tpu.memref_slice %arg4[%add3A_100, %dma_start3A_185] : memref<832x16384xf32, #tpu.memory_space<hbm>> -> memref<1x4096xf32, #tpu.memory_space<hbm>>
      %dma_start3A_187 = tpu.memref_squeeze %dma_start3A_186 : memref<1x4096xf32, #tpu.memory_space<hbm>> -> memref<4096xf32, #tpu.memory_space<hbm>>
      %dma_start3A_188 = arith.constant 0 : i32
      %dma_start3A_189 = tpu.memref_slice %arg7[%dma_start3A_178, %dma_start3A_188] : memref<2x4096xf32, #tpu.memory_space<vmem>> -> memref<1x4096xf32, #tpu.memory_space<vmem>>
      %dma_start3A_190 = tpu.memref_squeeze %dma_start3A_189 : memref<1x4096xf32, #tpu.memory_space<vmem>> -> memref<4096xf32, #tpu.memory_space<vmem>>
      tpu.enqueue_dma source(%dma_start3A_190 : memref<4096xf32, #tpu.memory_space<vmem>>) target(%dma_start3A_187 : memref<4096xf32, #tpu.memory_space<hbm>>) target_semaphore(%arg9 : memref<!tpu.dma_semaphore, #tpu.memory_space<semaphore_mem>>)
      %dma_wait3A_191 = arith.constant 0 : i32
      %dma_wait3A_192 = arith.constant 0 : i32
      %dma_wait3A_193 = tpu.memref_slice %arg6[%dma_wait3A_191, %dma_wait3A_192] : memref<2x4096xi32, #tpu.memory_space<vmem>> -> memref<1x4096xi32, #tpu.memory_space<vmem>>
      %dma_wait3A_194 = tpu.memref_squeeze %dma_wait3A_193 : memref<1x4096xi32, #tpu.memory_space<vmem>> -> memref<4096xi32, #tpu.memory_space<vmem>>
      %dma_wait3A_195 = arith.constant 8192 : i32
      %dma_wait3A_196 = tpu.memref_slice %arg2[%scan3A_6, %dma_wait3A_195] : memref<26x16384xi32, #tpu.memory_space<hbm>> -> memref<1x4096xi32, #tpu.memory_space<hbm>>
      %dma_wait3A_197 = tpu.memref_squeeze %dma_wait3A_196 : memref<1x4096xi32, #tpu.memory_space<hbm>> -> memref<4096xi32, #tpu.memory_space<hbm>>
      %dma_wait3A_198 = arith.constant 0 : i32
      %dma_wait3A_199 = tpu.memref_slice %arg6[%dma_wait3A_191, %dma_wait3A_198] : memref<2x4096xi32, #tpu.memory_space<vmem>> -> memref<1x4096xi32, #tpu.memory_space<vmem>>
      %dma_wait3A_200 = tpu.memref_squeeze %dma_wait3A_199 : memref<1x4096xi32, #tpu.memory_space<vmem>> -> memref<4096xi32, #tpu.memory_space<vmem>>
      %dma_wait3A_201 = arith.constant 8192 : i32
      %dma_wait3A_202 = tpu.memref_slice %arg2[%scan3A_6, %dma_wait3A_201] : memref<26x16384xi32, #tpu.memory_space<hbm>> -> memref<1x4096xi32, #tpu.memory_space<hbm>>
      %dma_wait3A_203 = tpu.memref_squeeze %dma_wait3A_202 : memref<1x4096xi32, #tpu.memory_space<hbm>> -> memref<4096xi32, #tpu.memory_space<hbm>>
      tpu.wait_dma2 semaphore(%arg8 : memref<!tpu.dma_semaphore, #tpu.memory_space<semaphore_mem>>) src(%dma_wait3A_203 : memref<4096xi32, #tpu.memory_space<hbm>>) dst(%dma_wait3A_200 : memref<4096xi32, #tpu.memory_space<vmem>>)
      %dma_start3A_204 = arith.constant 1 : i32
      %dma_start3A_205 = arith.constant 0 : i32
      %dma_start3A_206 = tpu.memref_slice %arg6[%dma_start3A_204, %dma_start3A_205] : memref<2x4096xi32, #tpu.memory_space<vmem>> -> memref<1x4096xi32, #tpu.memory_space<vmem>>
      %dma_start3A_207 = tpu.memref_squeeze %dma_start3A_206 : memref<1x4096xi32, #tpu.memory_space<vmem>> -> memref<4096xi32, #tpu.memory_space<vmem>>
      %dma_start3A_208 = arith.constant 12288 : i32
      %dma_start3A_209 = tpu.memref_slice %arg2[%scan3A_6, %dma_start3A_208] : memref<26x16384xi32, #tpu.memory_space<hbm>> -> memref<1x4096xi32, #tpu.memory_space<hbm>>
      %dma_start3A_210 = tpu.memref_squeeze %dma_start3A_209 : memref<1x4096xi32, #tpu.memory_space<hbm>> -> memref<4096xi32, #tpu.memory_space<hbm>>
      %dma_start3A_211 = arith.constant 0 : i32
      %dma_start3A_212 = tpu.memref_slice %arg6[%dma_start3A_204, %dma_start3A_211] : memref<2x4096xi32, #tpu.memory_space<vmem>> -> memref<1x4096xi32, #tpu.memory_space<vmem>>
      %dma_start3A_213 = tpu.memref_squeeze %dma_start3A_212 : memref<1x4096xi32, #tpu.memory_space<vmem>> -> memref<4096xi32, #tpu.memory_space<vmem>>
      %dma_start3A_214 = arith.constant 12288 : i32
      %dma_start3A_215 = tpu.memref_slice %arg2[%scan3A_6, %dma_start3A_214] : memref<26x16384xi32, #tpu.memory_space<hbm>> -> memref<1x4096xi32, #tpu.memory_space<hbm>>
      %dma_start3A_216 = tpu.memref_squeeze %dma_start3A_215 : memref<1x4096xi32, #tpu.memory_space<hbm>> -> memref<4096xi32, #tpu.memory_space<hbm>>
      tpu.enqueue_dma source(%dma_start3A_216 : memref<4096xi32, #tpu.memory_space<hbm>>) target(%dma_start3A_213 : memref<4096xi32, #tpu.memory_space<vmem>>) target_semaphore(%arg8 : memref<!tpu.dma_semaphore, #tpu.memory_space<semaphore_mem>>)
      %dma_wait3A_217 = arith.constant 0 : i32
      %dma_wait3A_218 = arith.constant 0 : i32
      %dma_wait3A_219 = tpu.memref_slice %arg7[%dma_wait3A_217, %dma_wait3A_218] : memref<2x4096xf32, #tpu.memory_space<vmem>> -> memref<1x4096xf32, #tpu.memory_space<vmem>>
      %dma_wait3A_220 = tpu.memref_squeeze %dma_wait3A_219 : memref<1x4096xf32, #tpu.memory_space<vmem>> -> memref<4096xf32, #tpu.memory_space<vmem>>
      %dma_wait3A_221 = arith.constant 0 : i32
      %dma_wait3A_222 = tpu.memref_slice %arg4[%add3A_100, %dma_wait3A_221] : memref<832x16384xf32, #tpu.memory_space<hbm>> -> memref<1x4096xf32, #tpu.memory_space<hbm>>
      %dma_wait3A_223 = tpu.memref_squeeze %dma_wait3A_222 : memref<1x4096xf32, #tpu.memory_space<hbm>> -> memref<4096xf32, #tpu.memory_space<hbm>>
      %dma_wait3A_224 = arith.constant 0 : i32
      %dma_wait3A_225 = tpu.memref_slice %arg4[%add3A_100, %dma_wait3A_224] : memref<832x16384xf32, #tpu.memory_space<hbm>> -> memref<1x4096xf32, #tpu.memory_space<hbm>>
      %dma_wait3A_226 = tpu.memref_squeeze %dma_wait3A_225 : memref<1x4096xf32, #tpu.memory_space<hbm>> -> memref<4096xf32, #tpu.memory_space<hbm>>
      %dma_wait3A_227 = arith.constant 0 : i32
      %dma_wait3A_228 = tpu.memref_slice %arg7[%dma_wait3A_217, %dma_wait3A_227] : memref<2x4096xf32, #tpu.memory_space<vmem>> -> memref<1x4096xf32, #tpu.memory_space<vmem>>
      %dma_wait3A_229 = tpu.memref_squeeze %dma_wait3A_228 : memref<1x4096xf32, #tpu.memory_space<vmem>> -> memref<4096xf32, #tpu.memory_space<vmem>>
      tpu.wait_dma2 semaphore(%arg9 : memref<!tpu.dma_semaphore, #tpu.memory_space<semaphore_mem>>) src(%dma_wait3A_229 : memref<4096xf32, #tpu.memory_space<vmem>>) dst(%dma_wait3A_226 : memref<4096xf32, #tpu.memory_space<hbm>>)
      %scan3A_230 = arith.constant 0 : i32
      %scan3A_231 = arith.constant 0 : i32
      %scan3A_232 = arith.constant 16 : i32
      %scan3A_233 = arith.addi %scan3A_231, %scan3A_232 : i32
      %scan3A_234 = arith.constant 1 : i32
      scf.for %scan3A_320 = %scan3A_231 to %scan3A_233 step %scan3A_234  : i32 {
        %mul3A_321 = arith.constant 16 : i32
        %mul3A_322 = arith.muli %scan3A_320, %mul3A_321 : i32
        %add3A_323 = arith.constant 0 : i32
        %add3A_324 = arith.addi %mul3A_322, %add3A_323 : i32
        %mul3A_325 = arith.constant 16 : i32
        %mul3A_326 = arith.muli %add3A_324, %mul3A_325 : i32
        %get3A = arith.constant 0 : i32
        %get3A_327 = arith.index_cast %get3A : i32 to index
        %get3A_328 = arith.index_cast %mul3A_326 : i32 to index
        %get3A_329 = tpu.vector_load %arg6[%get3A_327, %get3A_328] {strides = array<i32>} : memref<2x4096xi32, #tpu.memory_space<vmem>>, vector<16xi32>,
        %gather3A = tpu.vector_load_idx %arg5[%get3A_329] : memref<100000xf32, #tpu.memory_space<vmem>>[vector<16xi32>], vector<16xf32>,
        %swap3A = arith.constant 0 : i32
        %swap3A_330 = arith.index_cast %swap3A : i32 to index
        %swap3A_331 = arith.index_cast %mul3A_326 : i32 to index
        %swap3A_332 = tpu.vector_load %arg7[%swap3A_330, %swap3A_331] {strides = array<i32>} : memref<2x4096xf32, #tpu.memory_space<vmem>>, vector<16xf32>,
        tpu.vector_store %arg7[%swap3A_330, %swap3A_331], %gather3A {strides = array<i32>} : memref<2x4096xf32, #tpu.memory_space<vmem>>, vector<16xf32>,
        %mul3A_333 = arith.constant 16 : i32
        %mul3A_334 = arith.muli %scan3A_320, %mul3A_333 : i32
        %add3A_335 = arith.constant 1 : i32
        %add3A_336 = arith.addi %mul3A_334, %add3A_335 : i32
        %mul3A_337 = arith.constant 16 : i32
        %mul3A_338 = arith.muli %add3A_336, %mul3A_337 : i32
        %get3A_339 = arith.constant 0 : i32
        %get3A_340 = arith.index_cast %get3A_339 : i32 to index
        %get3A_341 = arith.index_cast %mul3A_338 : i32 to index
        %get3A_342 = tpu.vector_load %arg6[%get3A_340, %get3A_341] {strides = array<i32>} : memref<2x4096xi32, #tpu.memory_space<vmem>>, vector<16xi32>,
        %gather3A_343 = tpu.vector_load_idx %arg5[%get3A_342] : memref<100000xf32, #tpu.memory_space<vmem>>[vector<16xi32>], vector<16xf32>,
        %swap3A_344 = arith.constant 0 : i32
        %swap3A_345 = arith.index_cast %swap3A_344 : i32 to index
        %swap3A_346 = arith.index_cast %mul3A_338 : i32 to index
        %swap3A_347 = tpu.vector_load %arg7[%swap3A_345, %swap3A_346] {strides = array<i32>} : memref<2x4096xf32, #tpu.memory_space<vmem>>, vector<16xf32>,
        tpu.vector_store %arg7[%swap3A_345, %swap3A_346], %gather3A_343 {strides = array<i32>} : memref<2x4096xf32, #tpu.memory_space<vmem>>, vector<16xf32>,
        %mul3A_348 = arith.constant 16 : i32
        %mul3A_349 = arith.muli %scan3A_320, %mul3A_348 : i32
        %add3A_350 = arith.constant 2 : i32
        %add3A_351 = arith.addi %mul3A_349, %add3A_350 : i32
        %mul3A_352 = arith.constant 16 : i32
        %mul3A_353 = arith.muli %add3A_351, %mul3A_352 : i32
        %get3A_354 = arith.constant 0 : i32
        %get3A_355 = arith.index_cast %get3A_354 : i32 to index
        %get3A_356 = arith.index_cast %mul3A_353 : i32 to index
        %get3A_357 = tpu.vector_load %arg6[%get3A_355, %get3A_356] {strides = array<i32>} : memref<2x4096xi32, #tpu.memory_space<vmem>>, vector<16xi32>,
        %gather3A_358 = tpu.vector_load_idx %arg5[%get3A_357] : memref<100000xf32, #tpu.memory_space<vmem>>[vector<16xi32>], vector<16xf32>,
        %swap3A_359 = arith.constant 0 : i32
        %swap3A_360 = arith.index_cast %swap3A_359 : i32 to index
        %swap3A_361 = arith.index_cast %mul3A_353 : i32 to index
        %swap3A_362 = tpu.vector_load %arg7[%swap3A_360, %swap3A_361] {strides = array<i32>} : memref<2x4096xf32, #tpu.memory_space<vmem>>, vector<16xf32>,
        tpu.vector_store %arg7[%swap3A_360, %swap3A_361], %gather3A_358 {strides = array<i32>} : memref<2x4096xf32, #tpu.memory_space<vmem>>, vector<16xf32>,
        %mul3A_363 = arith.constant 16 : i32
        %mul3A_364 = arith.muli %scan3A_320, %mul3A_363 : i32
        %add3A_365 = arith.constant 3 : i32
        %add3A_366 = arith.addi %mul3A_364, %add3A_365 : i32
        %mul3A_367 = arith.constant 16 : i32
        %mul3A_368 = arith.muli %add3A_366, %mul3A_367 : i32
        %get3A_369 = arith.constant 0 : i32
        %get3A_370 = arith.index_cast %get3A_369 : i32 to index
        %get3A_371 = arith.index_cast %mul3A_368 : i32 to index
        %get3A_372 = tpu.vector_load %arg6[%get3A_370, %get3A_371] {strides = array<i32>} : memref<2x4096xi32, #tpu.memory_space<vmem>>, vector<16xi32>,
        %gather3A_373 = tpu.vector_load_idx %arg5[%get3A_372] : memref<100000xf32, #tpu.memory_space<vmem>>[vector<16xi32>], vector<16xf32>,
        %swap3A_374 = arith.constant 0 : i32
        %swap3A_375 = arith.index_cast %swap3A_374 : i32 to index
        %swap3A_376 = arith.index_cast %mul3A_368 : i32 to index
        %swap3A_377 = tpu.vector_load %arg7[%swap3A_375, %swap3A_376] {strides = array<i32>} : memref<2x4096xf32, #tpu.memory_space<vmem>>, vector<16xf32>,
        tpu.vector_store %arg7[%swap3A_375, %swap3A_376], %gather3A_373 {strides = array<i32>} : memref<2x4096xf32, #tpu.memory_space<vmem>>, vector<16xf32>,
        %mul3A_378 = arith.constant 16 : i32
        %mul3A_379 = arith.muli %scan3A_320, %mul3A_378 : i32
        %add3A_380 = arith.constant 4 : i32
        %add3A_381 = arith.addi %mul3A_379, %add3A_380 : i32
        %mul3A_382 = arith.constant 16 : i32
        %mul3A_383 = arith.muli %add3A_381, %mul3A_382 : i32
        %get3A_384 = arith.constant 0 : i32
        %get3A_385 = arith.index_cast %get3A_384 : i32 to index
        %get3A_386 = arith.index_cast %mul3A_383 : i32 to index
        %get3A_387 = tpu.vector_load %arg6[%get3A_385, %get3A_386] {strides = array<i32>} : memref<2x4096xi32, #tpu.memory_space<vmem>>, vector<16xi32>,
        %gather3A_388 = tpu.vector_load_idx %arg5[%get3A_387] : memref<100000xf32, #tpu.memory_space<vmem>>[vector<16xi32>], vector<16xf32>,
        %swap3A_389 = arith.constant 0 : i32
        %swap3A_390 = arith.index_cast %swap3A_389 : i32 to index
        %swap3A_391 = arith.index_cast %mul3A_383 : i32 to index
        %swap3A_392 = tpu.vector_load %arg7[%swap3A_390, %swap3A_391] {strides = array<i32>} : memref<2x4096xf32, #tpu.memory_space<vmem>>, vector<16xf32>,
        tpu.vector_store %arg7[%swap3A_390, %swap3A_391], %gather3A_388 {strides = array<i32>} : memref<2x4096xf32, #tpu.memory_space<vmem>>, vector<16xf32>,
        %mul3A_393 = arith.constant 16 : i32
        %mul3A_394 = arith.muli %scan3A_320, %mul3A_393 : i32
        %add3A_395 = arith.constant 5 : i32
        %add3A_396 = arith.addi %mul3A_394, %add3A_395 : i32
        %mul3A_397 = arith.constant 16 : i32
        %mul3A_398 = arith.muli %add3A_396, %mul3A_397 : i32
        %get3A_399 = arith.constant 0 : i32
        %get3A_400 = arith.index_cast %get3A_399 : i32 to index
        %get3A_401 = arith.index_cast %mul3A_398 : i32 to index
        %get3A_402 = tpu.vector_load %arg6[%get3A_400, %get3A_401] {strides = array<i32>} : memref<2x4096xi32, #tpu.memory_space<vmem>>, vector<16xi32>,
        %gather3A_403 = tpu.vector_load_idx %arg5[%get3A_402] : memref<100000xf32, #tpu.memory_space<vmem>>[vector<16xi32>], vector<16xf32>,
        %swap3A_404 = arith.constant 0 : i32
        %swap3A_405 = arith.index_cast %swap3A_404 : i32 to index
        %swap3A_406 = arith.index_cast %mul3A_398 : i32 to index
        %swap3A_407 = tpu.vector_load %arg7[%swap3A_405, %swap3A_406] {strides = array<i32>} : memref<2x4096xf32, #tpu.memory_space<vmem>>, vector<16xf32>,
        tpu.vector_store %arg7[%swap3A_405, %swap3A_406], %gather3A_403 {strides = array<i32>} : memref<2x4096xf32, #tpu.memory_space<vmem>>, vector<16xf32>,
        %mul3A_408 = arith.constant 16 : i32
        %mul3A_409 = arith.muli %scan3A_320, %mul3A_408 : i32
        %add3A_410 = arith.constant 6 : i32
        %add3A_411 = arith.addi %mul3A_409, %add3A_410 : i32
        %mul3A_412 = arith.constant 16 : i32
        %mul3A_413 = arith.muli %add3A_411, %mul3A_412 : i32
        %get3A_414 = arith.constant 0 : i32
        %get3A_415 = arith.index_cast %get3A_414 : i32 to index
        %get3A_416 = arith.index_cast %mul3A_413 : i32 to index
        %get3A_417 = tpu.vector_load %arg6[%get3A_415, %get3A_416] {strides = array<i32>} : memref<2x4096xi32, #tpu.memory_space<vmem>>, vector<16xi32>,
        %gather3A_418 = tpu.vector_load_idx %arg5[%get3A_417] : memref<100000xf32, #tpu.memory_space<vmem>>[vector<16xi32>], vector<16xf32>,
        %swap3A_419 = arith.constant 0 : i32
        %swap3A_420 = arith.index_cast %swap3A_419 : i32 to index
        %swap3A_421 = arith.index_cast %mul3A_413 : i32 to index
        %swap3A_422 = tpu.vector_load %arg7[%swap3A_420, %swap3A_421] {strides = array<i32>} : memref<2x4096xf32, #tpu.memory_space<vmem>>, vector<16xf32>,
        tpu.vector_store %arg7[%swap3A_420, %swap3A_421], %gather3A_418 {strides = array<i32>} : memref<2x4096xf32, #tpu.memory_space<vmem>>, vector<16xf32>,
        %mul3A_423 = arith.constant 16 : i32
        %mul3A_424 = arith.muli %scan3A_320, %mul3A_423 : i32
        %add3A_425 = arith.constant 7 : i32
        %add3A_426 = arith.addi %mul3A_424, %add3A_425 : i32
        %mul3A_427 = arith.constant 16 : i32
        %mul3A_428 = arith.muli %add3A_426, %mul3A_427 : i32
        %get3A_429 = arith.constant 0 : i32
        %get3A_430 = arith.index_cast %get3A_429 : i32 to index
        %get3A_431 = arith.index_cast %mul3A_428 : i32 to index
        %get3A_432 = tpu.vector_load %arg6[%get3A_430, %get3A_431] {strides = array<i32>} : memref<2x4096xi32, #tpu.memory_space<vmem>>, vector<16xi32>,
        %gather3A_433 = tpu.vector_load_idx %arg5[%get3A_432] : memref<100000xf32, #tpu.memory_space<vmem>>[vector<16xi32>], vector<16xf32>,
        %swap3A_434 = arith.constant 0 : i32
        %swap3A_435 = arith.index_cast %swap3A_434 : i32 to index
        %swap3A_436 = arith.index_cast %mul3A_428 : i32 to index
        %swap3A_437 = tpu.vector_load %arg7[%swap3A_435, %swap3A_436] {strides = array<i32>} : memref<2x4096xf32, #tpu.memory_space<vmem>>, vector<16xf32>,
        tpu.vector_store %arg7[%swap3A_435, %swap3A_436], %gather3A_433 {strides = array<i32>} : memref<2x4096xf32, #tpu.memory_space<vmem>>, vector<16xf32>,
        %mul3A_438 = arith.constant 16 : i32
        %mul3A_439 = arith.muli %scan3A_320, %mul3A_438 : i32
        %add3A_440 = arith.constant 8 : i32
        %add3A_441 = arith.addi %mul3A_439, %add3A_440 : i32
        %mul3A_442 = arith.constant 16 : i32
        %mul3A_443 = arith.muli %add3A_441, %mul3A_442 : i32
        %get3A_444 = arith.constant 0 : i32
        %get3A_445 = arith.index_cast %get3A_444 : i32 to index
        %get3A_446 = arith.index_cast %mul3A_443 : i32 to index
        %get3A_447 = tpu.vector_load %arg6[%get3A_445, %get3A_446] {strides = array<i32>} : memref<2x4096xi32, #tpu.memory_space<vmem>>, vector<16xi32>,
        %gather3A_448 = tpu.vector_load_idx %arg5[%get3A_447] : memref<100000xf32, #tpu.memory_space<vmem>>[vector<16xi32>], vector<16xf32>,
        %swap3A_449 = arith.constant 0 : i32
        %swap3A_450 = arith.index_cast %swap3A_449 : i32 to index
        %swap3A_451 = arith.index_cast %mul3A_443 : i32 to index
        %swap3A_452 = tpu.vector_load %arg7[%swap3A_450, %swap3A_451] {strides = array<i32>} : memref<2x4096xf32, #tpu.memory_space<vmem>>, vector<16xf32>,
        tpu.vector_store %arg7[%swap3A_450, %swap3A_451], %gather3A_448 {strides = array<i32>} : memref<2x4096xf32, #tpu.memory_space<vmem>>, vector<16xf32>,
        %mul3A_453 = arith.constant 16 : i32
        %mul3A_454 = arith.muli %scan3A_320, %mul3A_453 : i32
        %add3A_455 = arith.constant 9 : i32
        %add3A_456 = arith.addi %mul3A_454, %add3A_455 : i32
        %mul3A_457 = arith.constant 16 : i32
        %mul3A_458 = arith.muli %add3A_456, %mul3A_457 : i32
        %get3A_459 = arith.constant 0 : i32
        %get3A_460 = arith.index_cast %get3A_459 : i32 to index
        %get3A_461 = arith.index_cast %mul3A_458 : i32 to index
        %get3A_462 = tpu.vector_load %arg6[%get3A_460, %get3A_461] {strides = array<i32>} : memref<2x4096xi32, #tpu.memory_space<vmem>>, vector<16xi32>,
        %gather3A_463 = tpu.vector_load_idx %arg5[%get3A_462] : memref<100000xf32, #tpu.memory_space<vmem>>[vector<16xi32>], vector<16xf32>,
        %swap3A_464 = arith.constant 0 : i32
        %swap3A_465 = arith.index_cast %swap3A_464 : i32 to index
        %swap3A_466 = arith.index_cast %mul3A_458 : i32 to index
        %swap3A_467 = tpu.vector_load %arg7[%swap3A_465, %swap3A_466] {strides = array<i32>} : memref<2x4096xf32, #tpu.memory_space<vmem>>, vector<16xf32>,
        tpu.vector_store %arg7[%swap3A_465, %swap3A_466], %gather3A_463 {strides = array<i32>} : memref<2x4096xf32, #tpu.memory_space<vmem>>, vector<16xf32>,
        %mul3A_468 = arith.constant 16 : i32
        %mul3A_469 = arith.muli %scan3A_320, %mul3A_468 : i32
        %add3A_470 = arith.constant 10 : i32
        %add3A_471 = arith.addi %mul3A_469, %add3A_470 : i32
        %mul3A_472 = arith.constant 16 : i32
        %mul3A_473 = arith.muli %add3A_471, %mul3A_472 : i32
        %get3A_474 = arith.constant 0 : i32
        %get3A_475 = arith.index_cast %get3A_474 : i32 to index
        %get3A_476 = arith.index_cast %mul3A_473 : i32 to index
        %get3A_477 = tpu.vector_load %arg6[%get3A_475, %get3A_476] {strides = array<i32>} : memref<2x4096xi32, #tpu.memory_space<vmem>>, vector<16xi32>,
        %gather3A_478 = tpu.vector_load_idx %arg5[%get3A_477] : memref<100000xf32, #tpu.memory_space<vmem>>[vector<16xi32>], vector<16xf32>,
        %swap3A_479 = arith.constant 0 : i32
        %swap3A_480 = arith.index_cast %swap3A_479 : i32 to index
        %swap3A_481 = arith.index_cast %mul3A_473 : i32 to index
        %swap3A_482 = tpu.vector_load %arg7[%swap3A_480, %swap3A_481] {strides = array<i32>} : memref<2x4096xf32, #tpu.memory_space<vmem>>, vector<16xf32>,
        tpu.vector_store %arg7[%swap3A_480, %swap3A_481], %gather3A_478 {strides = array<i32>} : memref<2x4096xf32, #tpu.memory_space<vmem>>, vector<16xf32>,
        %mul3A_483 = arith.constant 16 : i32
        %mul3A_484 = arith.muli %scan3A_320, %mul3A_483 : i32
        %add3A_485 = arith.constant 11 : i32
        %add3A_486 = arith.addi %mul3A_484, %add3A_485 : i32
        %mul3A_487 = arith.constant 16 : i32
        %mul3A_488 = arith.muli %add3A_486, %mul3A_487 : i32
        %get3A_489 = arith.constant 0 : i32
        %get3A_490 = arith.index_cast %get3A_489 : i32 to index
        %get3A_491 = arith.index_cast %mul3A_488 : i32 to index
        %get3A_492 = tpu.vector_load %arg6[%get3A_490, %get3A_491] {strides = array<i32>} : memref<2x4096xi32, #tpu.memory_space<vmem>>, vector<16xi32>,
        %gather3A_493 = tpu.vector_load_idx %arg5[%get3A_492] : memref<100000xf32, #tpu.memory_space<vmem>>[vector<16xi32>], vector<16xf32>,
        %swap3A_494 = arith.constant 0 : i32
        %swap3A_495 = arith.index_cast %swap3A_494 : i32 to index
        %swap3A_496 = arith.index_cast %mul3A_488 : i32 to index
        %swap3A_497 = tpu.vector_load %arg7[%swap3A_495, %swap3A_496] {strides = array<i32>} : memref<2x4096xf32, #tpu.memory_space<vmem>>, vector<16xf32>,
        tpu.vector_store %arg7[%swap3A_495, %swap3A_496], %gather3A_493 {strides = array<i32>} : memref<2x4096xf32, #tpu.memory_space<vmem>>, vector<16xf32>,
        %mul3A_498 = arith.constant 16 : i32
        %mul3A_499 = arith.muli %scan3A_320, %mul3A_498 : i32
        %add3A_500 = arith.constant 12 : i32
        %add3A_501 = arith.addi %mul3A_499, %add3A_500 : i32
        %mul3A_502 = arith.constant 16 : i32
        %mul3A_503 = arith.muli %add3A_501, %mul3A_502 : i32
        %get3A_504 = arith.constant 0 : i32
        %get3A_505 = arith.index_cast %get3A_504 : i32 to index
        %get3A_506 = arith.index_cast %mul3A_503 : i32 to index
        %get3A_507 = tpu.vector_load %arg6[%get3A_505, %get3A_506] {strides = array<i32>} : memref<2x4096xi32, #tpu.memory_space<vmem>>, vector<16xi32>,
        %gather3A_508 = tpu.vector_load_idx %arg5[%get3A_507] : memref<100000xf32, #tpu.memory_space<vmem>>[vector<16xi32>], vector<16xf32>,
        %swap3A_509 = arith.constant 0 : i32
        %swap3A_510 = arith.index_cast %swap3A_509 : i32 to index
        %swap3A_511 = arith.index_cast %mul3A_503 : i32 to index
        %swap3A_512 = tpu.vector_load %arg7[%swap3A_510, %swap3A_511] {strides = array<i32>} : memref<2x4096xf32, #tpu.memory_space<vmem>>, vector<16xf32>,
        tpu.vector_store %arg7[%swap3A_510, %swap3A_511], %gather3A_508 {strides = array<i32>} : memref<2x4096xf32, #tpu.memory_space<vmem>>, vector<16xf32>,
        %mul3A_513 = arith.constant 16 : i32
        %mul3A_514 = arith.muli %scan3A_320, %mul3A_513 : i32
        %add3A_515 = arith.constant 13 : i32
        %add3A_516 = arith.addi %mul3A_514, %add3A_515 : i32
        %mul3A_517 = arith.constant 16 : i32
        %mul3A_518 = arith.muli %add3A_516, %mul3A_517 : i32
        %get3A_519 = arith.constant 0 : i32
        %get3A_520 = arith.index_cast %get3A_519 : i32 to index
        %get3A_521 = arith.index_cast %mul3A_518 : i32 to index
        %get3A_522 = tpu.vector_load %arg6[%get3A_520, %get3A_521] {strides = array<i32>} : memref<2x4096xi32, #tpu.memory_space<vmem>>, vector<16xi32>,
        %gather3A_523 = tpu.vector_load_idx %arg5[%get3A_522] : memref<100000xf32, #tpu.memory_space<vmem>>[vector<16xi32>], vector<16xf32>,
        %swap3A_524 = arith.constant 0 : i32
        %swap3A_525 = arith.index_cast %swap3A_524 : i32 to index
        %swap3A_526 = arith.index_cast %mul3A_518 : i32 to index
        %swap3A_527 = tpu.vector_load %arg7[%swap3A_525, %swap3A_526] {strides = array<i32>} : memref<2x4096xf32, #tpu.memory_space<vmem>>, vector<16xf32>,
        tpu.vector_store %arg7[%swap3A_525, %swap3A_526], %gather3A_523 {strides = array<i32>} : memref<2x4096xf32, #tpu.memory_space<vmem>>, vector<16xf32>,
        %mul3A_528 = arith.constant 16 : i32
        %mul3A_529 = arith.muli %scan3A_320, %mul3A_528 : i32
        %add3A_530 = arith.constant 14 : i32
        %add3A_531 = arith.addi %mul3A_529, %add3A_530 : i32
        %mul3A_532 = arith.constant 16 : i32
        %mul3A_533 = arith.muli %add3A_531, %mul3A_532 : i32
        %get3A_534 = arith.constant 0 : i32
        %get3A_535 = arith.index_cast %get3A_534 : i32 to index
        %get3A_536 = arith.index_cast %mul3A_533 : i32 to index
        %get3A_537 = tpu.vector_load %arg6[%get3A_535, %get3A_536] {strides = array<i32>} : memref<2x4096xi32, #tpu.memory_space<vmem>>, vector<16xi32>,
        %gather3A_538 = tpu.vector_load_idx %arg5[%get3A_537] : memref<100000xf32, #tpu.memory_space<vmem>>[vector<16xi32>], vector<16xf32>,
        %swap3A_539 = arith.constant 0 : i32
        %swap3A_540 = arith.index_cast %swap3A_539 : i32 to index
        %swap3A_541 = arith.index_cast %mul3A_533 : i32 to index
        %swap3A_542 = tpu.vector_load %arg7[%swap3A_540, %swap3A_541] {strides = array<i32>} : memref<2x4096xf32, #tpu.memory_space<vmem>>, vector<16xf32>,
        tpu.vector_store %arg7[%swap3A_540, %swap3A_541], %gather3A_538 {strides = array<i32>} : memref<2x4096xf32, #tpu.memory_space<vmem>>, vector<16xf32>,
        %mul3A_543 = arith.constant 16 : i32
        %mul3A_544 = arith.muli %scan3A_320, %mul3A_543 : i32
        %add3A_545 = arith.constant 15 : i32
        %add3A_546 = arith.addi %mul3A_544, %add3A_545 : i32
        %mul3A_547 = arith.constant 16 : i32
        %mul3A_548 = arith.muli %add3A_546, %mul3A_547 : i32
        %get3A_549 = arith.constant 0 : i32
        %get3A_550 = arith.index_cast %get3A_549 : i32 to index
        %get3A_551 = arith.index_cast %mul3A_548 : i32 to index
        %get3A_552 = tpu.vector_load %arg6[%get3A_550, %get3A_551] {strides = array<i32>} : memref<2x4096xi32, #tpu.memory_space<vmem>>, vector<16xi32>,
        %gather3A_553 = tpu.vector_load_idx %arg5[%get3A_552] : memref<100000xf32, #tpu.memory_space<vmem>>[vector<16xi32>], vector<16xf32>,
        %swap3A_554 = arith.constant 0 : i32
        %swap3A_555 = arith.index_cast %swap3A_554 : i32 to index
        %swap3A_556 = arith.index_cast %mul3A_548 : i32 to index
        %swap3A_557 = tpu.vector_load %arg7[%swap3A_555, %swap3A_556] {strides = array<i32>} : memref<2x4096xf32, #tpu.memory_space<vmem>>, vector<16xf32>,
        tpu.vector_store %arg7[%swap3A_555, %swap3A_556], %gather3A_553 {strides = array<i32>} : memref<2x4096xf32, #tpu.memory_space<vmem>>, vector<16xf32>,
      }
      %scan3A_235 = arith.constant 16 : i32
      %dma_start3A_236 = arith.constant 0 : i32
      %dma_start3A_237 = arith.constant 0 : i32
      %dma_start3A_238 = tpu.memref_slice %arg7[%dma_start3A_236, %dma_start3A_237] : memref<2x4096xf32, #tpu.memory_space<vmem>> -> memref<1x4096xf32, #tpu.memory_space<vmem>>
      %dma_start3A_239 = tpu.memref_squeeze %dma_start3A_238 : memref<1x4096xf32, #tpu.memory_space<vmem>> -> memref<4096xf32, #tpu.memory_space<vmem>>
      %dma_start3A_240 = arith.constant 8192 : i32
      %dma_start3A_241 = tpu.memref_slice %arg4[%add3A_100, %dma_start3A_240] : memref<832x16384xf32, #tpu.memory_space<hbm>> -> memref<1x4096xf32, #tpu.memory_space<hbm>>
      %dma_start3A_242 = tpu.memref_squeeze %dma_start3A_241 : memref<1x4096xf32, #tpu.memory_space<hbm>> -> memref<4096xf32, #tpu.memory_space<hbm>>
      %dma_start3A_243 = arith.constant 8192 : i32
      %dma_start3A_244 = tpu.memref_slice %arg4[%add3A_100, %dma_start3A_243] : memref<832x16384xf32, #tpu.memory_space<hbm>> -> memref<1x4096xf32, #tpu.memory_space<hbm>>
      %dma_start3A_245 = tpu.memref_squeeze %dma_start3A_244 : memref<1x4096xf32, #tpu.memory_space<hbm>> -> memref<4096xf32, #tpu.memory_space<hbm>>
      %dma_start3A_246 = arith.constant 0 : i32
      %dma_start3A_247 = tpu.memref_slice %arg7[%dma_start3A_236, %dma_start3A_246] : memref<2x4096xf32, #tpu.memory_space<vmem>> -> memref<1x4096xf32, #tpu.memory_space<vmem>>
      %dma_start3A_248 = tpu.memref_squeeze %dma_start3A_247 : memref<1x4096xf32, #tpu.memory_space<vmem>> -> memref<4096xf32, #tpu.memory_space<vmem>>
      tpu.enqueue_dma source(%dma_start3A_248 : memref<4096xf32, #tpu.memory_space<vmem>>) target(%dma_start3A_245 : memref<4096xf32, #tpu.memory_space<hbm>>) target_semaphore(%arg9 : memref<!tpu.dma_semaphore, #tpu.memory_space<semaphore_mem>>)
      %dma_wait3A_249 = arith.constant 1 : i32
      %dma_wait3A_250 = arith.constant 0 : i32
      %dma_wait3A_251 = tpu.memref_slice %arg6[%dma_wait3A_249, %dma_wait3A_250] : memref<2x4096xi32, #tpu.memory_space<vmem>> -> memref<1x4096xi32, #tpu.memory_space<vmem>>
      %dma_wait3A_252 = tpu.memref_squeeze %dma_wait3A_251 : memref<1x4096xi32, #tpu.memory_space<vmem>> -> memref<4096xi32, #tpu.memory_space<vmem>>
      %dma_wait3A_253 = arith.constant 12288 : i32
      %dma_wait3A_254 = tpu.memref_slice %arg2[%scan3A_6, %dma_wait3A_253] : memref<26x16384xi32, #tpu.memory_space<hbm>> -> memref<1x4096xi32, #tpu.memory_space<hbm>>
      %dma_wait3A_255 = tpu.memref_squeeze %dma_wait3A_254 : memref<1x4096xi32, #tpu.memory_space<hbm>> -> memref<4096xi32, #tpu.memory_space<hbm>>
      %dma_wait3A_256 = arith.constant 0 : i32
      %dma_wait3A_257 = tpu.memref_slice %arg6[%dma_wait3A_249, %dma_wait3A_256] : memref<2x4096xi32, #tpu.memory_space<vmem>> -> memref<1x4096xi32, #tpu.memory_space<vmem>>
      %dma_wait3A_258 = tpu.memref_squeeze %dma_wait3A_257 : memref<1x4096xi32, #tpu.memory_space<vmem>> -> memref<4096xi32, #tpu.memory_space<vmem>>
      %dma_wait3A_259 = arith.constant 12288 : i32
      %dma_wait3A_260 = tpu.memref_slice %arg2[%scan3A_6, %dma_wait3A_259] : memref<26x16384xi32, #tpu.memory_space<hbm>> -> memref<1x4096xi32, #tpu.memory_space<hbm>>
      %dma_wait3A_261 = tpu.memref_squeeze %dma_wait3A_260 : memref<1x4096xi32, #tpu.memory_space<hbm>> -> memref<4096xi32, #tpu.memory_space<hbm>>
      tpu.wait_dma2 semaphore(%arg8 : memref<!tpu.dma_semaphore, #tpu.memory_space<semaphore_mem>>) src(%dma_wait3A_261 : memref<4096xi32, #tpu.memory_space<hbm>>) dst(%dma_wait3A_258 : memref<4096xi32, #tpu.memory_space<vmem>>)
      %dma_wait3A_262 = arith.constant 1 : i32
      %dma_wait3A_263 = arith.constant 0 : i32
      %dma_wait3A_264 = tpu.memref_slice %arg7[%dma_wait3A_262, %dma_wait3A_263] : memref<2x4096xf32, #tpu.memory_space<vmem>> -> memref<1x4096xf32, #tpu.memory_space<vmem>>
      %dma_wait3A_265 = tpu.memref_squeeze %dma_wait3A_264 : memref<1x4096xf32, #tpu.memory_space<vmem>> -> memref<4096xf32, #tpu.memory_space<vmem>>
      %dma_wait3A_266 = arith.constant 4096 : i32
      %dma_wait3A_267 = tpu.memref_slice %arg4[%add3A_100, %dma_wait3A_266] : memref<832x16384xf32, #tpu.memory_space<hbm>> -> memref<1x4096xf32, #tpu.memory_space<hbm>>
      %dma_wait3A_268 = tpu.memref_squeeze %dma_wait3A_267 : memref<1x4096xf32, #tpu.memory_space<hbm>> -> memref<4096xf32, #tpu.memory_space<hbm>>
      %dma_wait3A_269 = arith.constant 4096 : i32
      %dma_wait3A_270 = tpu.memref_slice %arg4[%add3A_100, %dma_wait3A_269] : memref<832x16384xf32, #tpu.memory_space<hbm>> -> memref<1x4096xf32, #tpu.memory_space<hbm>>
      %dma_wait3A_271 = tpu.memref_squeeze %dma_wait3A_270 : memref<1x4096xf32, #tpu.memory_space<hbm>> -> memref<4096xf32, #tpu.memory_space<hbm>>
      %dma_wait3A_272 = arith.constant 0 : i32
      %dma_wait3A_273 = tpu.memref_slice %arg7[%dma_wait3A_262, %dma_wait3A_272] : memref<2x4096xf32, #tpu.memory_space<vmem>> -> memref<1x4096xf32, #tpu.memory_space<vmem>>
      %dma_wait3A_274 = tpu.memref_squeeze %dma_wait3A_273 : memref<1x4096xf32, #tpu.memory_space<vmem>> -> memref<4096xf32, #tpu.memory_space<vmem>>
      tpu.wait_dma2 semaphore(%arg9 : memref<!tpu.dma_semaphore, #tpu.memory_space<semaphore_mem>>) src(%dma_wait3A_274 : memref<4096xf32, #tpu.memory_space<vmem>>) dst(%dma_wait3A_271 : memref<4096xf32, #tpu.memory_space<hbm>>)
      %scan3A_275 = arith.constant 0 : i32
      %scan3A_276 = arith.constant 0 : i32
      %scan3A_277 = arith.constant 16 : i32
      %scan3A_278 = arith.addi %scan3A_276, %scan3A_277 : i32
      %scan3A_279 = arith.constant 1 : i32
      scf.for %scan3A_320 = %scan3A_276 to %scan3A_278 step %scan3A_279  : i32 {
        %mul3A_321 = arith.constant 16 : i32
        %mul3A_322 = arith.muli %scan3A_320, %mul3A_321 : i32
        %add3A_323 = arith.constant 0 : i32
        %add3A_324 = arith.addi %mul3A_322, %add3A_323 : i32
        %mul3A_325 = arith.constant 16 : i32
        %mul3A_326 = arith.muli %add3A_324, %mul3A_325 : i32
        %get3A = arith.constant 1 : i32
        %get3A_327 = arith.index_cast %get3A : i32 to index
        %get3A_328 = arith.index_cast %mul3A_326 : i32 to index
        %get3A_329 = tpu.vector_load %arg6[%get3A_327, %get3A_328] {strides = array<i32>} : memref<2x4096xi32, #tpu.memory_space<vmem>>, vector<16xi32>,
        %gather3A = tpu.vector_load_idx %arg5[%get3A_329] : memref<100000xf32, #tpu.memory_space<vmem>>[vector<16xi32>], vector<16xf32>,
        %swap3A = arith.constant 1 : i32
        %swap3A_330 = arith.index_cast %swap3A : i32 to index
        %swap3A_331 = arith.index_cast %mul3A_326 : i32 to index
        %swap3A_332 = tpu.vector_load %arg7[%swap3A_330, %swap3A_331] {strides = array<i32>} : memref<2x4096xf32, #tpu.memory_space<vmem>>, vector<16xf32>,
        tpu.vector_store %arg7[%swap3A_330, %swap3A_331], %gather3A {strides = array<i32>} : memref<2x4096xf32, #tpu.memory_space<vmem>>, vector<16xf32>,
        %mul3A_333 = arith.constant 16 : i32
        %mul3A_334 = arith.muli %scan3A_320, %mul3A_333 : i32
        %add3A_335 = arith.constant 1 : i32
        %add3A_336 = arith.addi %mul3A_334, %add3A_335 : i32
        %mul3A_337 = arith.constant 16 : i32
        %mul3A_338 = arith.muli %add3A_336, %mul3A_337 : i32
        %get3A_339 = arith.constant 1 : i32
        %get3A_340 = arith.index_cast %get3A_339 : i32 to index
        %get3A_341 = arith.index_cast %mul3A_338 : i32 to index
        %get3A_342 = tpu.vector_load %arg6[%get3A_340, %get3A_341] {strides = array<i32>} : memref<2x4096xi32, #tpu.memory_space<vmem>>, vector<16xi32>,
        %gather3A_343 = tpu.vector_load_idx %arg5[%get3A_342] : memref<100000xf32, #tpu.memory_space<vmem>>[vector<16xi32>], vector<16xf32>,
        %swap3A_344 = arith.constant 1 : i32
        %swap3A_345 = arith.index_cast %swap3A_344 : i32 to index
        %swap3A_346 = arith.index_cast %mul3A_338 : i32 to index
        %swap3A_347 = tpu.vector_load %arg7[%swap3A_345, %swap3A_346] {strides = array<i32>} : memref<2x4096xf32, #tpu.memory_space<vmem>>, vector<16xf32>,
        tpu.vector_store %arg7[%swap3A_345, %swap3A_346], %gather3A_343 {strides = array<i32>} : memref<2x4096xf32, #tpu.memory_space<vmem>>, vector<16xf32>,
        %mul3A_348 = arith.constant 16 : i32
        %mul3A_349 = arith.muli %scan3A_320, %mul3A_348 : i32
        %add3A_350 = arith.constant 2 : i32
        %add3A_351 = arith.addi %mul3A_349, %add3A_350 : i32
        %mul3A_352 = arith.constant 16 : i32
        %mul3A_353 = arith.muli %add3A_351, %mul3A_352 : i32
        %get3A_354 = arith.constant 1 : i32
        %get3A_355 = arith.index_cast %get3A_354 : i32 to index
        %get3A_356 = arith.index_cast %mul3A_353 : i32 to index
        %get3A_357 = tpu.vector_load %arg6[%get3A_355, %get3A_356] {strides = array<i32>} : memref<2x4096xi32, #tpu.memory_space<vmem>>, vector<16xi32>,
        %gather3A_358 = tpu.vector_load_idx %arg5[%get3A_357] : memref<100000xf32, #tpu.memory_space<vmem>>[vector<16xi32>], vector<16xf32>,
        %swap3A_359 = arith.constant 1 : i32
        %swap3A_360 = arith.index_cast %swap3A_359 : i32 to index
        %swap3A_361 = arith.index_cast %mul3A_353 : i32 to index
        %swap3A_362 = tpu.vector_load %arg7[%swap3A_360, %swap3A_361] {strides = array<i32>} : memref<2x4096xf32, #tpu.memory_space<vmem>>, vector<16xf32>,
        tpu.vector_store %arg7[%swap3A_360, %swap3A_361], %gather3A_358 {strides = array<i32>} : memref<2x4096xf32, #tpu.memory_space<vmem>>, vector<16xf32>,
        %mul3A_363 = arith.constant 16 : i32
        %mul3A_364 = arith.muli %scan3A_320, %mul3A_363 : i32
        %add3A_365 = arith.constant 3 : i32
        %add3A_366 = arith.addi %mul3A_364, %add3A_365 : i32
        %mul3A_367 = arith.constant 16 : i32
        %mul3A_368 = arith.muli %add3A_366, %mul3A_367 : i32
        %get3A_369 = arith.constant 1 : i32
        %get3A_370 = arith.index_cast %get3A_369 : i32 to index
        %get3A_371 = arith.index_cast %mul3A_368 : i32 to index
        %get3A_372 = tpu.vector_load %arg6[%get3A_370, %get3A_371] {strides = array<i32>} : memref<2x4096xi32, #tpu.memory_space<vmem>>, vector<16xi32>,
        %gather3A_373 = tpu.vector_load_idx %arg5[%get3A_372] : memref<100000xf32, #tpu.memory_space<vmem>>[vector<16xi32>], vector<16xf32>,
        %swap3A_374 = arith.constant 1 : i32
        %swap3A_375 = arith.index_cast %swap3A_374 : i32 to index
        %swap3A_376 = arith.index_cast %mul3A_368 : i32 to index
        %swap3A_377 = tpu.vector_load %arg7[%swap3A_375, %swap3A_376] {strides = array<i32>} : memref<2x4096xf32, #tpu.memory_space<vmem>>, vector<16xf32>,
        tpu.vector_store %arg7[%swap3A_375, %swap3A_376], %gather3A_373 {strides = array<i32>} : memref<2x4096xf32, #tpu.memory_space<vmem>>, vector<16xf32>,
        %mul3A_378 = arith.constant 16 : i32
        %mul3A_379 = arith.muli %scan3A_320, %mul3A_378 : i32
        %add3A_380 = arith.constant 4 : i32
        %add3A_381 = arith.addi %mul3A_379, %add3A_380 : i32
        %mul3A_382 = arith.constant 16 : i32
        %mul3A_383 = arith.muli %add3A_381, %mul3A_382 : i32
        %get3A_384 = arith.constant 1 : i32
        %get3A_385 = arith.index_cast %get3A_384 : i32 to index
        %get3A_386 = arith.index_cast %mul3A_383 : i32 to index
        %get3A_387 = tpu.vector_load %arg6[%get3A_385, %get3A_386] {strides = array<i32>} : memref<2x4096xi32, #tpu.memory_space<vmem>>, vector<16xi32>,
        %gather3A_388 = tpu.vector_load_idx %arg5[%get3A_387] : memref<100000xf32, #tpu.memory_space<vmem>>[vector<16xi32>], vector<16xf32>,
        %swap3A_389 = arith.constant 1 : i32
        %swap3A_390 = arith.index_cast %swap3A_389 : i32 to index
        %swap3A_391 = arith.index_cast %mul3A_383 : i32 to index
        %swap3A_392 = tpu.vector_load %arg7[%swap3A_390, %swap3A_391] {strides = array<i32>} : memref<2x4096xf32, #tpu.memory_space<vmem>>, vector<16xf32>,
        tpu.vector_store %arg7[%swap3A_390, %swap3A_391], %gather3A_388 {strides = array<i32>} : memref<2x4096xf32, #tpu.memory_space<vmem>>, vector<16xf32>,
        %mul3A_393 = arith.constant 16 : i32
        %mul3A_394 = arith.muli %scan3A_320, %mul3A_393 : i32
        %add3A_395 = arith.constant 5 : i32
        %add3A_396 = arith.addi %mul3A_394, %add3A_395 : i32
        %mul3A_397 = arith.constant 16 : i32
        %mul3A_398 = arith.muli %add3A_396, %mul3A_397 : i32
        %get3A_399 = arith.constant 1 : i32
        %get3A_400 = arith.index_cast %get3A_399 : i32 to index
        %get3A_401 = arith.index_cast %mul3A_398 : i32 to index
        %get3A_402 = tpu.vector_load %arg6[%get3A_400, %get3A_401] {strides = array<i32>} : memref<2x4096xi32, #tpu.memory_space<vmem>>, vector<16xi32>,
        %gather3A_403 = tpu.vector_load_idx %arg5[%get3A_402] : memref<100000xf32, #tpu.memory_space<vmem>>[vector<16xi32>], vector<16xf32>,
        %swap3A_404 = arith.constant 1 : i32
        %swap3A_405 = arith.index_cast %swap3A_404 : i32 to index
        %swap3A_406 = arith.index_cast %mul3A_398 : i32 to index
        %swap3A_407 = tpu.vector_load %arg7[%swap3A_405, %swap3A_406] {strides = array<i32>} : memref<2x4096xf32, #tpu.memory_space<vmem>>, vector<16xf32>,
        tpu.vector_store %arg7[%swap3A_405, %swap3A_406], %gather3A_403 {strides = array<i32>} : memref<2x4096xf32, #tpu.memory_space<vmem>>, vector<16xf32>,
        %mul3A_408 = arith.constant 16 : i32
        %mul3A_409 = arith.muli %scan3A_320, %mul3A_408 : i32
        %add3A_410 = arith.constant 6 : i32
        %add3A_411 = arith.addi %mul3A_409, %add3A_410 : i32
        %mul3A_412 = arith.constant 16 : i32
        %mul3A_413 = arith.muli %add3A_411, %mul3A_412 : i32
        %get3A_414 = arith.constant 1 : i32
        %get3A_415 = arith.index_cast %get3A_414 : i32 to index
        %get3A_416 = arith.index_cast %mul3A_413 : i32 to index
        %get3A_417 = tpu.vector_load %arg6[%get3A_415, %get3A_416] {strides = array<i32>} : memref<2x4096xi32, #tpu.memory_space<vmem>>, vector<16xi32>,
        %gather3A_418 = tpu.vector_load_idx %arg5[%get3A_417] : memref<100000xf32, #tpu.memory_space<vmem>>[vector<16xi32>], vector<16xf32>,
        %swap3A_419 = arith.constant 1 : i32
        %swap3A_420 = arith.index_cast %swap3A_419 : i32 to index
        %swap3A_421 = arith.index_cast %mul3A_413 : i32 to index
        %swap3A_422 = tpu.vector_load %arg7[%swap3A_420, %swap3A_421] {strides = array<i32>} : memref<2x4096xf32, #tpu.memory_space<vmem>>, vector<16xf32>,
        tpu.vector_store %arg7[%swap3A_420, %swap3A_421], %gather3A_418 {strides = array<i32>} : memref<2x4096xf32, #tpu.memory_space<vmem>>, vector<16xf32>,
        %mul3A_423 = arith.constant 16 : i32
        %mul3A_424 = arith.muli %scan3A_320, %mul3A_423 : i32
        %add3A_425 = arith.constant 7 : i32
        %add3A_426 = arith.addi %mul3A_424, %add3A_425 : i32
        %mul3A_427 = arith.constant 16 : i32
        %mul3A_428 = arith.muli %add3A_426, %mul3A_427 : i32
        %get3A_429 = arith.constant 1 : i32
        %get3A_430 = arith.index_cast %get3A_429 : i32 to index
        %get3A_431 = arith.index_cast %mul3A_428 : i32 to index
        %get3A_432 = tpu.vector_load %arg6[%get3A_430, %get3A_431] {strides = array<i32>} : memref<2x4096xi32, #tpu.memory_space<vmem>>, vector<16xi32>,
        %gather3A_433 = tpu.vector_load_idx %arg5[%get3A_432] : memref<100000xf32, #tpu.memory_space<vmem>>[vector<16xi32>], vector<16xf32>,
        %swap3A_434 = arith.constant 1 : i32
        %swap3A_435 = arith.index_cast %swap3A_434 : i32 to index
        %swap3A_436 = arith.index_cast %mul3A_428 : i32 to index
        %swap3A_437 = tpu.vector_load %arg7[%swap3A_435, %swap3A_436] {strides = array<i32>} : memref<2x4096xf32, #tpu.memory_space<vmem>>, vector<16xf32>,
        tpu.vector_store %arg7[%swap3A_435, %swap3A_436], %gather3A_433 {strides = array<i32>} : memref<2x4096xf32, #tpu.memory_space<vmem>>, vector<16xf32>,
        %mul3A_438 = arith.constant 16 : i32
        %mul3A_439 = arith.muli %scan3A_320, %mul3A_438 : i32
        %add3A_440 = arith.constant 8 : i32
        %add3A_441 = arith.addi %mul3A_439, %add3A_440 : i32
        %mul3A_442 = arith.constant 16 : i32
        %mul3A_443 = arith.muli %add3A_441, %mul3A_442 : i32
        %get3A_444 = arith.constant 1 : i32
        %get3A_445 = arith.index_cast %get3A_444 : i32 to index
        %get3A_446 = arith.index_cast %mul3A_443 : i32 to index
        %get3A_447 = tpu.vector_load %arg6[%get3A_445, %get3A_446] {strides = array<i32>} : memref<2x4096xi32, #tpu.memory_space<vmem>>, vector<16xi32>,
        %gather3A_448 = tpu.vector_load_idx %arg5[%get3A_447] : memref<100000xf32, #tpu.memory_space<vmem>>[vector<16xi32>], vector<16xf32>,
        %swap3A_449 = arith.constant 1 : i32
        %swap3A_450 = arith.index_cast %swap3A_449 : i32 to index
        %swap3A_451 = arith.index_cast %mul3A_443 : i32 to index
        %swap3A_452 = tpu.vector_load %arg7[%swap3A_450, %swap3A_451] {strides = array<i32>} : memref<2x4096xf32, #tpu.memory_space<vmem>>, vector<16xf32>,
        tpu.vector_store %arg7[%swap3A_450, %swap3A_451], %gather3A_448 {strides = array<i32>} : memref<2x4096xf32, #tpu.memory_space<vmem>>, vector<16xf32>,
        %mul3A_453 = arith.constant 16 : i32
        %mul3A_454 = arith.muli %scan3A_320, %mul3A_453 : i32
        %add3A_455 = arith.constant 9 : i32
        %add3A_456 = arith.addi %mul3A_454, %add3A_455 : i32
        %mul3A_457 = arith.constant 16 : i32
        %mul3A_458 = arith.muli %add3A_456, %mul3A_457 : i32
        %get3A_459 = arith.constant 1 : i32
        %get3A_460 = arith.index_cast %get3A_459 : i32 to index
        %get3A_461 = arith.index_cast %mul3A_458 : i32 to index
        %get3A_462 = tpu.vector_load %arg6[%get3A_460, %get3A_461] {strides = array<i32>} : memref<2x4096xi32, #tpu.memory_space<vmem>>, vector<16xi32>,
        %gather3A_463 = tpu.vector_load_idx %arg5[%get3A_462] : memref<100000xf32, #tpu.memory_space<vmem>>[vector<16xi32>], vector<16xf32>,
        %swap3A_464 = arith.constant 1 : i32
        %swap3A_465 = arith.index_cast %swap3A_464 : i32 to index
        %swap3A_466 = arith.index_cast %mul3A_458 : i32 to index
        %swap3A_467 = tpu.vector_load %arg7[%swap3A_465, %swap3A_466] {strides = array<i32>} : memref<2x4096xf32, #tpu.memory_space<vmem>>, vector<16xf32>,
        tpu.vector_store %arg7[%swap3A_465, %swap3A_466], %gather3A_463 {strides = array<i32>} : memref<2x4096xf32, #tpu.memory_space<vmem>>, vector<16xf32>,
        %mul3A_468 = arith.constant 16 : i32
        %mul3A_469 = arith.muli %scan3A_320, %mul3A_468 : i32
        %add3A_470 = arith.constant 10 : i32
        %add3A_471 = arith.addi %mul3A_469, %add3A_470 : i32
        %mul3A_472 = arith.constant 16 : i32
        %mul3A_473 = arith.muli %add3A_471, %mul3A_472 : i32
        %get3A_474 = arith.constant 1 : i32
        %get3A_475 = arith.index_cast %get3A_474 : i32 to index
        %get3A_476 = arith.index_cast %mul3A_473 : i32 to index
        %get3A_477 = tpu.vector_load %arg6[%get3A_475, %get3A_476] {strides = array<i32>} : memref<2x4096xi32, #tpu.memory_space<vmem>>, vector<16xi32>,
        %gather3A_478 = tpu.vector_load_idx %arg5[%get3A_477] : memref<100000xf32, #tpu.memory_space<vmem>>[vector<16xi32>], vector<16xf32>,
        %swap3A_479 = arith.constant 1 : i32
        %swap3A_480 = arith.index_cast %swap3A_479 : i32 to index
        %swap3A_481 = arith.index_cast %mul3A_473 : i32 to index
        %swap3A_482 = tpu.vector_load %arg7[%swap3A_480, %swap3A_481] {strides = array<i32>} : memref<2x4096xf32, #tpu.memory_space<vmem>>, vector<16xf32>,
        tpu.vector_store %arg7[%swap3A_480, %swap3A_481], %gather3A_478 {strides = array<i32>} : memref<2x4096xf32, #tpu.memory_space<vmem>>, vector<16xf32>,
        %mul3A_483 = arith.constant 16 : i32
        %mul3A_484 = arith.muli %scan3A_320, %mul3A_483 : i32
        %add3A_485 = arith.constant 11 : i32
        %add3A_486 = arith.addi %mul3A_484, %add3A_485 : i32
        %mul3A_487 = arith.constant 16 : i32
        %mul3A_488 = arith.muli %add3A_486, %mul3A_487 : i32
        %get3A_489 = arith.constant 1 : i32
        %get3A_490 = arith.index_cast %get3A_489 : i32 to index
        %get3A_491 = arith.index_cast %mul3A_488 : i32 to index
        %get3A_492 = tpu.vector_load %arg6[%get3A_490, %get3A_491] {strides = array<i32>} : memref<2x4096xi32, #tpu.memory_space<vmem>>, vector<16xi32>,
        %gather3A_493 = tpu.vector_load_idx %arg5[%get3A_492] : memref<100000xf32, #tpu.memory_space<vmem>>[vector<16xi32>], vector<16xf32>,
        %swap3A_494 = arith.constant 1 : i32
        %swap3A_495 = arith.index_cast %swap3A_494 : i32 to index
        %swap3A_496 = arith.index_cast %mul3A_488 : i32 to index
        %swap3A_497 = tpu.vector_load %arg7[%swap3A_495, %swap3A_496] {strides = array<i32>} : memref<2x4096xf32, #tpu.memory_space<vmem>>, vector<16xf32>,
        tpu.vector_store %arg7[%swap3A_495, %swap3A_496], %gather3A_493 {strides = array<i32>} : memref<2x4096xf32, #tpu.memory_space<vmem>>, vector<16xf32>,
        %mul3A_498 = arith.constant 16 : i32
        %mul3A_499 = arith.muli %scan3A_320, %mul3A_498 : i32
        %add3A_500 = arith.constant 12 : i32
        %add3A_501 = arith.addi %mul3A_499, %add3A_500 : i32
        %mul3A_502 = arith.constant 16 : i32
        %mul3A_503 = arith.muli %add3A_501, %mul3A_502 : i32
        %get3A_504 = arith.constant 1 : i32
        %get3A_505 = arith.index_cast %get3A_504 : i32 to index
        %get3A_506 = arith.index_cast %mul3A_503 : i32 to index
        %get3A_507 = tpu.vector_load %arg6[%get3A_505, %get3A_506] {strides = array<i32>} : memref<2x4096xi32, #tpu.memory_space<vmem>>, vector<16xi32>,
        %gather3A_508 = tpu.vector_load_idx %arg5[%get3A_507] : memref<100000xf32, #tpu.memory_space<vmem>>[vector<16xi32>], vector<16xf32>,
        %swap3A_509 = arith.constant 1 : i32
        %swap3A_510 = arith.index_cast %swap3A_509 : i32 to index
        %swap3A_511 = arith.index_cast %mul3A_503 : i32 to index
        %swap3A_512 = tpu.vector_load %arg7[%swap3A_510, %swap3A_511] {strides = array<i32>} : memref<2x4096xf32, #tpu.memory_space<vmem>>, vector<16xf32>,
        tpu.vector_store %arg7[%swap3A_510, %swap3A_511], %gather3A_508 {strides = array<i32>} : memref<2x4096xf32, #tpu.memory_space<vmem>>, vector<16xf32>,
        %mul3A_513 = arith.constant 16 : i32
        %mul3A_514 = arith.muli %scan3A_320, %mul3A_513 : i32
        %add3A_515 = arith.constant 13 : i32
        %add3A_516 = arith.addi %mul3A_514, %add3A_515 : i32
        %mul3A_517 = arith.constant 16 : i32
        %mul3A_518 = arith.muli %add3A_516, %mul3A_517 : i32
        %get3A_519 = arith.constant 1 : i32
        %get3A_520 = arith.index_cast %get3A_519 : i32 to index
        %get3A_521 = arith.index_cast %mul3A_518 : i32 to index
        %get3A_522 = tpu.vector_load %arg6[%get3A_520, %get3A_521] {strides = array<i32>} : memref<2x4096xi32, #tpu.memory_space<vmem>>, vector<16xi32>,
        %gather3A_523 = tpu.vector_load_idx %arg5[%get3A_522] : memref<100000xf32, #tpu.memory_space<vmem>>[vector<16xi32>], vector<16xf32>,
        %swap3A_524 = arith.constant 1 : i32
        %swap3A_525 = arith.index_cast %swap3A_524 : i32 to index
        %swap3A_526 = arith.index_cast %mul3A_518 : i32 to index
        %swap3A_527 = tpu.vector_load %arg7[%swap3A_525, %swap3A_526] {strides = array<i32>} : memref<2x4096xf32, #tpu.memory_space<vmem>>, vector<16xf32>,
        tpu.vector_store %arg7[%swap3A_525, %swap3A_526], %gather3A_523 {strides = array<i32>} : memref<2x4096xf32, #tpu.memory_space<vmem>>, vector<16xf32>,
        %mul3A_528 = arith.constant 16 : i32
        %mul3A_529 = arith.muli %scan3A_320, %mul3A_528 : i32
        %add3A_530 = arith.constant 14 : i32
        %add3A_531 = arith.addi %mul3A_529, %add3A_530 : i32
        %mul3A_532 = arith.constant 16 : i32
        %mul3A_533 = arith.muli %add3A_531, %mul3A_532 : i32
        %get3A_534 = arith.constant 1 : i32
        %get3A_535 = arith.index_cast %get3A_534 : i32 to index
        %get3A_536 = arith.index_cast %mul3A_533 : i32 to index
        %get3A_537 = tpu.vector_load %arg6[%get3A_535, %get3A_536] {strides = array<i32>} : memref<2x4096xi32, #tpu.memory_space<vmem>>, vector<16xi32>,
        %gather3A_538 = tpu.vector_load_idx %arg5[%get3A_537] : memref<100000xf32, #tpu.memory_space<vmem>>[vector<16xi32>], vector<16xf32>,
        %swap3A_539 = arith.constant 1 : i32
        %swap3A_540 = arith.index_cast %swap3A_539 : i32 to index
        %swap3A_541 = arith.index_cast %mul3A_533 : i32 to index
        %swap3A_542 = tpu.vector_load %arg7[%swap3A_540, %swap3A_541] {strides = array<i32>} : memref<2x4096xf32, #tpu.memory_space<vmem>>, vector<16xf32>,
        tpu.vector_store %arg7[%swap3A_540, %swap3A_541], %gather3A_538 {strides = array<i32>} : memref<2x4096xf32, #tpu.memory_space<vmem>>, vector<16xf32>,
        %mul3A_543 = arith.constant 16 : i32
        %mul3A_544 = arith.muli %scan3A_320, %mul3A_543 : i32
        %add3A_545 = arith.constant 15 : i32
        %add3A_546 = arith.addi %mul3A_544, %add3A_545 : i32
        %mul3A_547 = arith.constant 16 : i32
        %mul3A_548 = arith.muli %add3A_546, %mul3A_547 : i32
        %get3A_549 = arith.constant 1 : i32
        %get3A_550 = arith.index_cast %get3A_549 : i32 to index
        %get3A_551 = arith.index_cast %mul3A_548 : i32 to index
        %get3A_552 = tpu.vector_load %arg6[%get3A_550, %get3A_551] {strides = array<i32>} : memref<2x4096xi32, #tpu.memory_space<vmem>>, vector<16xi32>,
        %gather3A_553 = tpu.vector_load_idx %arg5[%get3A_552] : memref<100000xf32, #tpu.memory_space<vmem>>[vector<16xi32>], vector<16xf32>,
        %swap3A_554 = arith.constant 1 : i32
        %swap3A_555 = arith.index_cast %swap3A_554 : i32 to index
        %swap3A_556 = arith.index_cast %mul3A_548 : i32 to index
        %swap3A_557 = tpu.vector_load %arg7[%swap3A_555, %swap3A_556] {strides = array<i32>} : memref<2x4096xf32, #tpu.memory_space<vmem>>, vector<16xf32>,
        tpu.vector_store %arg7[%swap3A_555, %swap3A_556], %gather3A_553 {strides = array<i32>} : memref<2x4096xf32, #tpu.memory_space<vmem>>, vector<16xf32>,
      }
      %scan3A_280 = arith.constant 16 : i32
      %dma_start3A_281 = arith.constant 1 : i32
      %dma_start3A_282 = arith.constant 0 : i32
      %dma_start3A_283 = tpu.memref_slice %arg7[%dma_start3A_281, %dma_start3A_282] : memref<2x4096xf32, #tpu.memory_space<vmem>> -> memref<1x4096xf32, #tpu.memory_space<vmem>>
      %dma_start3A_284 = tpu.memref_squeeze %dma_start3A_283 : memref<1x4096xf32, #tpu.memory_space<vmem>> -> memref<4096xf32, #tpu.memory_space<vmem>>
      %dma_start3A_285 = arith.constant 12288 : i32
      %dma_start3A_286 = tpu.memref_slice %arg4[%add3A_100, %dma_start3A_285] : memref<832x16384xf32, #tpu.memory_space<hbm>> -> memref<1x4096xf32, #tpu.memory_space<hbm>>
      %dma_start3A_287 = tpu.memref_squeeze %dma_start3A_286 : memref<1x4096xf32, #tpu.memory_space<hbm>> -> memref<4096xf32, #tpu.memory_space<hbm>>
      %dma_start3A_288 = arith.constant 12288 : i32
      %dma_start3A_289 = tpu.memref_slice %arg4[%add3A_100, %dma_start3A_288] : memref<832x16384xf32, #tpu.memory_space<hbm>> -> memref<1x4096xf32, #tpu.memory_space<hbm>>
      %dma_start3A_290 = tpu.memref_squeeze %dma_start3A_289 : memref<1x4096xf32, #tpu.memory_space<hbm>> -> memref<4096xf32, #tpu.memory_space<hbm>>
      %dma_start3A_291 = arith.constant 0 : i32
      %dma_start3A_292 = tpu.memref_slice %arg7[%dma_start3A_281, %dma_start3A_291] : memref<2x4096xf32, #tpu.memory_space<vmem>> -> memref<1x4096xf32, #tpu.memory_space<vmem>>
      %dma_start3A_293 = tpu.memref_squeeze %dma_start3A_292 : memref<1x4096xf32, #tpu.memory_space<vmem>> -> memref<4096xf32, #tpu.memory_space<vmem>>
      tpu.enqueue_dma source(%dma_start3A_293 : memref<4096xf32, #tpu.memory_space<vmem>>) target(%dma_start3A_290 : memref<4096xf32, #tpu.memory_space<hbm>>) target_semaphore(%arg9 : memref<!tpu.dma_semaphore, #tpu.memory_space<semaphore_mem>>)
      %dma_wait3A_294 = arith.constant 0 : i32
      %dma_wait3A_295 = arith.constant 0 : i32
      %dma_wait3A_296 = tpu.memref_slice %arg7[%dma_wait3A_294, %dma_wait3A_295] : memref<2x4096xf32, #tpu.memory_space<vmem>> -> memref<1x4096xf32, #tpu.memory_space<vmem>>
      %dma_wait3A_297 = tpu.memref_squeeze %dma_wait3A_296 : memref<1x4096xf32, #tpu.memory_space<vmem>> -> memref<4096xf32, #tpu.memory_space<vmem>>
      %dma_wait3A_298 = arith.constant 8192 : i32
      %dma_wait3A_299 = tpu.memref_slice %arg4[%add3A_100, %dma_wait3A_298] : memref<832x16384xf32, #tpu.memory_space<hbm>> -> memref<1x4096xf32, #tpu.memory_space<hbm>>
      %dma_wait3A_300 = tpu.memref_squeeze %dma_wait3A_299 : memref<1x4096xf32, #tpu.memory_space<hbm>> -> memref<4096xf32, #tpu.memory_space<hbm>>
      %dma_wait3A_301 = arith.constant 8192 : i32
      %dma_wait3A_302 = tpu.memref_slice %arg4[%add3A_100, %dma_wait3A_301] : memref<832x16384xf32, #tpu.memory_space<hbm>> -> memref<1x4096xf32, #tpu.memory_space<hbm>>
      %dma_wait3A_303 = tpu.memref_squeeze %dma_wait3A_302 : memref<1x4096xf32, #tpu.memory_space<hbm>> -> memref<4096xf32, #tpu.memory_space<hbm>>
      %dma_wait3A_304 = arith.constant 0 : i32
      %dma_wait3A_305 = tpu.memref_slice %arg7[%dma_wait3A_294, %dma_wait3A_304] : memref<2x4096xf32, #tpu.memory_space<vmem>> -> memref<1x4096xf32, #tpu.memory_space<vmem>>
      %dma_wait3A_306 = tpu.memref_squeeze %dma_wait3A_305 : memref<1x4096xf32, #tpu.memory_space<vmem>> -> memref<4096xf32, #tpu.memory_space<vmem>>
      tpu.wait_dma2 semaphore(%arg9 : memref<!tpu.dma_semaphore, #tpu.memory_space<semaphore_mem>>) src(%dma_wait3A_306 : memref<4096xf32, #tpu.memory_space<vmem>>) dst(%dma_wait3A_303 : memref<4096xf32, #tpu.memory_space<hbm>>)
      %dma_wait3A_307 = arith.constant 1 : i32
      %dma_wait3A_308 = arith.constant 0 : i32
      %dma_wait3A_309 = tpu.memref_slice %arg7[%dma_wait3A_307, %dma_wait3A_308] : memref<2x4096xf32, #tpu.memory_space<vmem>> -> memref<1x4096xf32, #tpu.memory_space<vmem>>
      %dma_wait3A_310 = tpu.memref_squeeze %dma_wait3A_309 : memref<1x4096xf32, #tpu.memory_space<vmem>> -> memref<4096xf32, #tpu.memory_space<vmem>>
      %dma_wait3A_311 = arith.constant 12288 : i32
      %dma_wait3A_312 = tpu.memref_slice %arg4[%add3A_100, %dma_wait3A_311] : memref<832x16384xf32, #tpu.memory_space<hbm>> -> memref<1x4096xf32, #tpu.memory_space<hbm>>
      %dma_wait3A_313 = tpu.memref_squeeze %dma_wait3A_312 : memref<1x4096xf32, #tpu.memory_space<hbm>> -> memref<4096xf32, #tpu.memory_space<hbm>>
      %dma_wait3A_314 = arith.constant 12288 : i32
      %dma_wait3A_315 = tpu.memref_slice %arg4[%add3A_100, %dma_wait3A_314] : memref<832x16384xf32, #tpu.memory_space<hbm>> -> memref<1x4096xf32, #tpu.memory_space<hbm>>
      %dma_wait3A_316 = tpu.memref_squeeze %dma_wait3A_315 : memref<1x4096xf32, #tpu.memory_space<hbm>> -> memref<4096xf32, #tpu.memory_space<hbm>>
      %dma_wait3A_317 = arith.constant 0 : i32
      %dma_wait3A_318 = tpu.memref_slice %arg7[%dma_wait3A_307, %dma_wait3A_317] : memref<2x4096xf32, #tpu.memory_space<vmem>> -> memref<1x4096xf32, #tpu.memory_space<vmem>>
      %dma_wait3A_319 = tpu.memref_squeeze %dma_wait3A_318 : memref<1x4096xf32, #tpu.memory_space<vmem>> -> memref<4096xf32, #tpu.memory_space<vmem>>
      tpu.wait_dma2 semaphore(%arg9 : memref<!tpu.dma_semaphore, #tpu.memory_space<semaphore_mem>>) src(%dma_wait3A_319 : memref<4096xf32, #tpu.memory_space<vmem>>) dst(%dma_wait3A_316 : memref<4096xf32, #tpu.memory_space<hbm>>)
    }
    %scan3A_5 = arith.constant 26 : i32
    return
  }
}

</mosaic_0001>

<sc_bundles>
// kernel: kernel.3.cloned.1.call-start
scs
__scs_entry_jumppad:
0x0: {  	(pc) =	sbr.rel $0x88, $3  }
0x1: {  	(tag) =	ssettag $0x0;
	lr =	simm.s32 $0x1  }
0x2: {  	[smem:$0x3F9F] =	sst lr;
	_ =	strace $0xD0000000  }
0x3: {  	_ = 	snop  }
0x4: {  	_ = 	snop  }
0x5: {  	_ = 	snop  }
0x6: {  	_ = 	snop  }
0x7: {  	_ = 	snop  }
__scs_overlays_trampoline_lowered:
0x8: {  	[smem:$0x3FAE] =	sst s0  }
0x9: {  	[smem:$0x3FAF] =	sst s1  }
0xa: {  	[smem:$0x3FB0] =	sst s2  }
0xb: {  	[smem:$0x3FB1] =	sst s3  }
0xc: {  	[smem:$0x3FB2] =	sst s4  }
0xd: {  	[smem:$0x3FB3] =	sst s5  }
0xe: {  	[smem:$0x3FB4] =	sst s6  }
0xf: {  	[smem:$0x3FB5] =	sst s7  }
0x10: {  	[smem:$0x3FB6] =	sst s8  }
0x11: {  	[smem:$0x3FB7] =	sst s9;
	s0 =	simm.s32 @!p0 $0x0  }
0x12: {  	s1 =	sld [smem:$0x3F9D];
	s0 =	simm.s32 @p0 $0x1  }
0x13: {  	[smem:$0x3FB8] =	sst s0;
	s0 =	simm.s32 @!p1 $0x0  }
0x14: {  	s2 =	sld [smem:$0x3F9C];
	s0 =	simm.s32 @p1 $0x1  }
0x15: {  	[smem:$0x3FB9] =	sst s0;
	s0 =	simm.s32 @!p2 $0x0  }
0x16: {  	s3 =	sld [smem:$0x3FDB];
	s0 =	simm.s32 @p2 $0x1  }
0x17: {  	s4 =	simm.s32 $0x1BF5;
	[smem:$0x3FBB] =	sst s0  }
0x18: {  	s0 =	sld [smem:$0x3F9E];
	_ =	swait.ge [sflag:s4], $0x0  }
0x19: {  	s7 =	sld [smem:$0x3F9F]  }
0x1a: {  	s8 =	sadd.s32 $0xFFFFE003, lr  }
0x1b: {  	s9 =	sadd.s32 $0xFFFFFEF7, lr;
	s5 =	simm.s32 $0xFFFFFFFF;
	p2 =	slt.u32 s8, $0xFFFFF086  }
0x1c: {  	p1 =	slt.u32 s9, $0xF7A;
	s5 =	simm.s32 @!p2 $0x0  }
0x1d: {  	s5 =	simm.s32 @p1 $0x1;
	p0 =	seq.s32 s7, s2  }
0x1e: {  	s7 =	smul.u32 @!p0 $0xF7A, s2;
	p2 =	seq.s32 @!p0 s5, $0x0  }
0x1f: {  	s9 =	smul.u32 $0xF7A, s1;
	s8 =	simm.s32 @!p0 $0x1BF5;
	p2 =	por !p2, p0  }
0x20: {  	[sflag:s8] =	ssyncset.s32 @!p0 $0xFFFFF086;
	s6 =	sadd.s32 @!p0 s3, s7;
	s7 =	simm.s32 @!p0 $0x108  }
0x21: {  	s3 =	sadd.s32 s3, s9;
	s6 =	sadd.s32 @!p0 $0x88, s6;
	s7 =	simm.s32 @p2 $0x1082  }
0x22: {  	[simem:s7], [sflag:s8] =	dma.local @!p0 [hbm:s6], $0xF7A  }
0x23: {  	s9 =	sor.u32 $0xD0000000, s2;
	s6 =	simm.s32 $0x108;
	_ =	swait.ge @!p0 [sflag:s8], $0x0  }
0x24: {  	s3 =	sadd.s32 $0x88, s3;
	s6 =	simm.s32 @!p1 $0x1082;
	[sflag:s4] =	ssyncset.s32 $0xFFFFF086  }
0x25: {  	[simem:s6], [sflag:s4] =	dma.local [hbm:s3], $0xF7A  }
0x26: {  	[smem:$0x3F9F] =	sst s1;
	(tag) =	ssettag s2;
	_ =	strace s9  }
0x27: {  	s1 =	sld [smem:$0x3FAF]  }
0x28: {  	s2 =	sld [smem:$0x3FB0]  }
0x29: {  	s4 =	sld [smem:$0x3FB2]  }
0x2a: {  	p0 =	seq.s32 s5, $0x0;
	s5 =	sld [smem:$0x3FB3]  }
0x2b: {  	s6 =	sld [smem:$0x3FB4]  }
0x2c: {  	s7 =	sld [smem:$0x3FB5]  }
0x2d: {  	s3 =	simm.s32 $0x108;
	s8 =	sld [smem:$0x3FB6]  }
0x2e: {  	s3 =	simm.s32 @!p0 $0x1082;
	s9 =	sld [smem:$0x3FB7]  }
0x2f: {  	lr =	sadd.s32 s0, s3;
	s0 =	sld [smem:$0x3FAE]  }
0x30: {  	s3 =	sld [smem:$0x3FB1]  }
0x31: {  	[smem:$0x3FBA] =	sst s10  }
0x32: {  	s10 =	sld [smem:$0x3FB8];
	_ =	sdelay $0x3  }
0x33: {  	p0 =	seq.s32 s10, $0x1;
	s10 =	sld [smem:$0x3FBA];
	_ =	sdelay $0x3  }
0x34: {  	[smem:$0x3FBA] =	sst s10  }
0x35: {  	s10 =	sld [smem:$0x3FB9];
	_ =	sdelay $0x3  }
0x36: {  	p1 =	seq.s32 s10, $0x1;
	s10 =	sld [smem:$0x3FBA];
	_ =	sdelay $0x3  }
0x37: {  	[smem:$0x3FBA] =	sst s10  }
0x38: {  	s10 =	sld [smem:$0x3FBB]  }
0x39: {  	_ = 	snop;
	(pc) =	sbr.ind lr, $3  }
0x3a: {  	_ = 	snop  }
0x3b: {  	_ = 	snop  }
0x3c: {  	p2 =	seq.s32 s10, $0x1;
	s10 =	sld [smem:$0x3FBA]  }
0x3d: {  	_ =	shalt  }
0x3e: {  	_ =	shalt  }
0x3f: {  	_ =	shalt  }
0x40: {  	_ =	shalt  }
0x41: {  	_ =	shalt  }
0x42: {  	_ =	shalt  }
0x43: {  	_ =	shalt  }
0x44: {  	_ =	shalt  }
0x45: {  	_ =	shalt  }
0x46: {  	_ =	shalt  }
0x47: {  	_ =	shalt  }
0x48: {  	_ =	shalt  }
0x49: {  	_ =	shalt  }
0x4a: {  	_ =	shalt  }
0x4b: {  	_ =	shalt  }
0x4c: {  	_ =	shalt  }
0x4d: {  	_ =	shalt  }
0x4e: {  	_ =	shalt  }
0x4f: {  	_ =	shalt  }
0x50: {  	_ =	shalt  }
0x51: {  	_ =	shalt  }
0x52: {  	_ =	shalt  }
0x53: {  	_ =	shalt  }
0x54: {  	_ =	shalt  }
0x55: {  	_ =	shalt  }
0x56: {  	_ =	shalt  }
0x57: {  	_ =	shalt  }
0x58: {  	_ =	shalt  }
0x59: {  	_ =	shalt  }
0x5a: {  	_ =	shalt  }
0x5b: {  	_ =	shalt  }
0x5c: {  	_ =	shalt  }
0x5d: {  	_ =	shalt  }
0x5e: {  	_ =	shalt  }
0x5f: {  	_ =	shalt  }
0x60: {  	_ =	shalt  }
0x61: {  	_ =	shalt  }
0x62: {  	_ =	shalt  }
0x63: {  	_ =	shalt  }
0x64: {  	_ =	shalt  }
0x65: {  	_ =	shalt  }
0x66: {  	_ =	shalt  }
0x67: {  	_ =	shalt  }
0x68: {  	_ =	shalt  }
0x69: {  	_ =	shalt  }
0x6a: {  	_ =	shalt  }
0x6b: {  	_ =	shalt  }
0x6c: {  	_ =	shalt  }
0x6d: {  	_ =	shalt  }
0x6e: {  	_ =	shalt  }
0x6f: {  	_ =	shalt  }
0x70: {  	_ =	shalt  }
0x71: {  	_ =	shalt  }
0x72: {  	_ =	shalt  }
0x73: {  	_ =	shalt  }
0x74: {  	_ =	shalt  }
0x75: {  	_ =	shalt  }
0x76: {  	_ =	shalt  }
0x77: {  	_ =	shalt  }
0x78: {  	_ =	shalt  }
0x79: {  	_ =	shalt  }
0x7a: {  	_ =	shalt  }
0x7b: {  	_ =	shalt  }
0x7c: {  	_ =	shalt  }
0x7d: {  	_ =	shalt  }
0x7e: {  	_ =	shalt  }
0x7f: {  	_ =	shalt  }
0x80: {  	_ =	shalt  }
0x81: {  	_ =	shalt  }
0x82: {  	_ =	shalt  }
0x83: {  	_ =	shalt  }
0x84: {  	_ =	shalt  }
0x85: {  	_ =	shalt  }
0x86: {  	_ =	shalt  }
0x87: {  	_ =	shalt  }
.Lfunc_end0:
.L_simem_size_0:
called_computation_lowered:
.L_overlay_start_0:
0x88: {  	s2 =	sld [smem:$0x3FD9]  }
0x89: {  	s3 =	sld [smem:$0x3FFE];
	_ =	sdelay $0x1  }
0x8a: {  	s1 =	srdreg.scid  }
0x8b: {  	s0 =	sand.u32 $0x1, s1  }
0x8c: {  	s17 =	sshll.u32 s0, $0xA;
	s2 =	sadd.s32 s3, s2  }
0x8d: {  	s2 =	sadd.s32 s2, s17  }
0x8e: {  	[smem:$0x3FC6] =	sst s2  }
0x8f: {  	_ = 	snop  }
0x90: {  	s2 =	sld [smem:$0x3FD0];
	(tm) =	ssettm $0x1  }
0x91: {  	s18 =	sld [smem:$0x3FFB];
	_ =	sdelay $0x3  }
0x92: {  	_ =	strace s18  }
0x93: {  	s3 =	sld [smem:$0x3FFC];
	_ =	sdelay $0x3  }
0x94: {  	_ =	strace s3  }
0x95: {  	s3 =	sld [smem:$0x3FFD];
	_ =	sdelay $0x3  }
0x96: {  	_ =	strace s3  }
0x97: {  	_ =	strace $0x8FFFFFFF  }
0x98: {  	s19 =	sld [smem:$0x3FDB];
	_ =	sdelay $0x1  }
0x99: {  	s4 =	simm.s32 $_scs_section_size  }
0x9a: {  	s5 =	simm.s32 $_size__tile_overlayer_lowered;
	s6 =	simm.s32 $_tile_overlayer_lowered  }
0x9b: {  	s22 =	simm.s32 $0x1BFF;
	s21 =	sshll.u32 s6, $0x1;
	s3 =	sadd.s32 s4, s19  }
0x9c: {  	s7 =	simm.s32 $0x0;
	s20 =	sshll.u32 s5, $0x1;
	s5 =	sadd.s32 s21, s3  }
0x9d: {  	[timem:s7], [sflag:s22] =	dma.local [hbm:s5], s20  }
0x9e: {  	_ =	swait.ge [sflag:s22], s20  }
0x9f: {  	s4 =	ssub.s32 $0x0, s20;
	[sflag:s22] =	ssyncset.done $0x0  }
0xa0: {  	[sflag:s22] =	ssyncadd.s32 s4;
	_ =	sdelay $0x1  }
0xa1: {  	s23 =	simm.s32 $0x1B8B  }
0xa2: {  	_ =	swait.ge [sflag:s23], $0x1  }
0xa3: {  	[sflag:s23] =	ssyncset.done $0x0  }
0xa4: {  	s25 =	simm.s32 $0x1B8E;
	s24 =	sld [smem:$0x3FFE];
	[sflag:s23] =	ssyncadd.s32 $0xFFFFFFFF  }
0xa5: {  	s26 =	simm.s32 $execute0_lowered;
	[smem:$0x3FD2] =	sst s25  }
0xa6: {  	s5 =	sshll.u32 s26, $0x1;
	_ =	strace $0x80000046;
	[dreg:$0x1] =	wrdreg $0xFFFFFFFF  }
0xa7: {  	s28 =	simm.s32 $_size_execute0_lowered;
	s3 =	sadd.s32 s3, s5;
	[dreg:$0x0] =	wrdreg $0x0  }
0xa8: {  	s5 =	sshll.u32 s28, $0x1;
	[dreg:$0x2] =	wrdreg s3  }
0xa9: {  	[dreg:$0x3] =	wrdreg s5  }
0xaa: {  	[dreg:$0x4] =	wrdreg $0xC0  }
0xab: {  	_ =	task [dreg:s7], $0x5FFFF  }
0xac: {  	[dreg:$0x1] =	wrdreg $0xFFFFFFFF  }
0xad: {  	[dreg:$0x0] =	wrdreg $0x60  }
0xae: {  	[dreg:$0x2] =	wrdreg s2  }
0xaf: {  	[dreg:$0x3] =	wrdreg s24  }
0xb0: {  	[dreg:$0x4] =	wrdreg $0x9  }
0xb1: {  	_ =	task.clear_ibuf [dreg:s7], $0x5FFFF;
	_ =	strace $0x90000046  }
0xb2: {  	s29 =	simm.s32 $0x9;
	_ =	strace $0x80000048  }
0xb3: {  	_ =	swait.ge [sflag:s29], $0x1  }
0xb4: {  	[sflag:s29] =	ssyncadd.s32 $0xFFFFFFFF  }
0xb5: {  	_ =	strace $0x90000048  }
0xb6: {  	_ =	sfence  }
0xb7: {  	s30 =	sld [smem:$0x0];
	_ =	sdelay $0x2  }
0xb8: {  	s31 =	sshll.u32 s1, $0xD;
	s1 =	sshrl.u32 s1, $0x2  }
0xb9: {  	s3 =	sand.u32 $0x4000, s31;
	s1 =	sadd.s32 s1, s30  }
0xba: {  	s0 =	sor.u32 s3, s0;
	s1 =	sshll.u32 s1, $0x11  }
0xbb: {  	s0 =	sor.u32 s1, s0  }
0xbc: {  	s0 =	sadd.s32 $0x8F2B, s0  }
0xbd: {  	[sflag:s0] =	ssyncadd.remote.s32 $0x1  }
0xbe: {  	_ =	sfence.sel $0xFFFF  }
0xbf: {  	[dreg:$0x0] =	wrdreg $0xFFFFFFFF;
	(pc) =	sbr.abs _section_cstart, $3  }
0xc0: {  	[dreg:$0x1] =	wrdreg $0xFFFFFFFF  }
0xc1: {  	_ =	task.clear_ibuf [dreg:s7], $0x2FFFF;
	_ =	strace $0x9FFFFFFF  }
0xc2: {  	(tm) =	ssettm $0x7FFFFFFF  }
0xc3: {  	_ =	shalt  }
tec
execute0_lowered:
.L_overlay_start_1:
0x0: {  	(tag) =	ssettag $0x1  }
0x1: {  	s1 =	rddreg [dreg:$0x0]  }
0x2: {  	s0 =	rddreg [dreg:$0x1]  }
0x3: {  	s3 =	simm.s32 $0x0;
	s4 =	srdreg.scid;
	s2 =	stileid.u32  }
0x4: {  	s15 =	simm.s32 $0x186A0;
	s16 =	simm.s32 $0x61A8;
	s17 =	simm.s32 $0xC350  }
0x5: {  	s18 =	simm.s32 $0x124F8;
	s19 =	simm.s32 $0x3;
	s20 =	simm.s32 $0x1  }
0x6: {  	s21 =	simm.s32 $0x196A0;
	s22 =	simm.s32 $0x1A6A0;
	s23 =	simm.s32 $0x1B6A0  }
0x7: {  	s24 =	simm.s32 $0x2;
	s25 =	simm.s32 $0x0;
	[smem:$0x7FF] =	sst s3  }
0x8: {  	s6 =	sand.u32 $0x1, s4;
	s4 =	sadd.s32 $0x400, s0;
	s5 =	sadd.s32 $0x9EB600, s0  }
0x9: {  	s7 =	sshll.u32 s2, $0x1;
	s9 =	sadd.s32 $0x400, s1;
	s10 =	sadd.s32 $0x9EB800, s0  }
0xa: {  	s11 =	sadd.s32 $0x600, s1;
	_ =	strace $0x80000047;
	s12 =	ssub.s32 $0x2, s6  }
0xb: {  	s8 =	sor.u32 s6, s7;
	s7 =	sadd.s32 $0x200, s1;
	s13 =	sshrl.u32 s12, $0x1  }
0xc: {  	s6 =	smul.u32 $0x186A0, s8;
	s8 =	sshll.u32 s8, $0xB;
	s14 =	ssub.s32 s12, s13  }
0xd: {  	s12 =	sadd.s32 $0x9EBA00, s0;
	s13 =	sadd.s32 $0x9EBC00, s0;
	s14 =	smax.u32 s14, $0x1  }
.LBB2_1:
0xe: {  	s26 =	simm.s32 $0x0  }
.LBB2_2:
0xf: {  	s29 =	sshll.u32 s26, $0xB  }
0x10: {  	s28 =	simm.s32 $0x0;
	s30 =	smul.u32 $0x30D400, s26;
	s0 =	sadd.s32 s1, s29  }
0x11: {  	[tilespmem:s15], [sflag:$0x1] =	stream.linear.gather [hbm4b:s0+s28], $0x1000, $0x38;
	[tilespmem:$0x1C6A0] =	vst v63  }
0x12: {  	s0 =	sadd.s32 s6, s30  }
0x13: {  	s30 =	sshrl.u32 s0, $0x3;
	s31 =	sadd.s32 $0x61A8, s0  }
0x14: {  	s30 =	sadd.s32 s4, s30;
	s31 =	sshrl.u32 s31, $0x3  }
0x15: {  	[tilespmem:s28], [sflag:$0x3] =	stream.linear.gather [hbm4b:s30+s28], $0x61A8, $0x38;
	[tilespmem:$0x1C6A0] =	vst v63  }
0x16: {  	s0 =	sadd.s32 $0x124F8, s0;
	s31 =	sadd.s32 s4, s31  }
0x17: {  	[tilespmem:s16], [sflag:$0x3] =	stream.linear.gather [hbm4b:s31+s28], $0x61A8, $0x38;
	[tilespmem:$0x1C6A0] =	vst v63  }
0x18: {  	s0 =	sshrl.u32 s0, $0x3;
	s30 =	sadd.s32 $0x186A, s30  }
0x19: {  	[tilespmem:s17], [sflag:$0x3] =	stream.linear.gather [hbm4b:s30+s28], $0x61A8, $0x38;
	[tilespmem:$0x1C6A0] =	vst v63  }
0x1a: {  	s0 =	sadd.s32 s4, s0  }
0x1b: {  	[tilespmem:s18], [sflag:$0x3] =	stream.linear.gather [hbm4b:s0+s28], $0x61A8, $0x38;
	[tilespmem:$0x1C6A0] =	vst v63  }
0x1c: {  	_ =	swait.ge [sflag:s19], $0x61A8  }
0x1d: {  	[sflag:s19] =	ssyncset.done $0x0  }
0x1e: {  	[sflag:s19] =	ssyncadd.s32 $0xFFFF9E58  }
0x1f: {  	_ =	swait.ge [sflag:s19], $0x61A8  }
0x20: {  	[sflag:s19] =	ssyncset.done $0x0  }
0x21: {  	[sflag:s19] =	ssyncadd.s32 $0xFFFF9E58  }
0x22: {  	_ =	swait.ge [sflag:s19], $0x61A8  }
0x23: {  	[sflag:s19] =	ssyncset.done $0x0  }
0x24: {  	[sflag:s19] =	ssyncadd.s32 $0xFFFF9E58  }
0x25: {  	_ =	swait.ge [sflag:s19], $0x61A8  }
0x26: {  	[sflag:s19] =	ssyncset.done $0x0  }
0x27: {  	[sflag:s19] =	ssyncadd.s32 $0xFFFF9E58  }
0x28: {  	_ =	swait.ge [sflag:s20], $0x1000  }
0x29: {  	[sflag:s20] =	ssyncset.done $0x0  }
0x2a: {  	s0 =	sadd.s32 s29, s7;
	[sflag:s20] =	ssyncadd.s32 $0xFFFFF000  }
0x2b: {  	[tilespmem:s21], [sflag:$0x1] =	stream.linear.gather [hbm4b:s0+s28], $0x1000, $0x38;
	[tilespmem:$0x1C6A0] =	vst v63  }
0x2c: {  	s28 =	simm.s32 $0x0  }
0x2d: {  	v0 =	vld [tilespmem:s28+$0x186A0];
	_ =	sdelay $0x5  }
0x2e: {  	v1 =	vld [tilespmem:s28+$0x186B0];
	_ =	sdelay $0x1  }
0x2f: {  	v0 =	vld.idx.msk [tilespmem:v0+s3+$0x0], $0xffff;
	_ =	sdelay $0x4  }
0x30: {  	[tilespmem:s28+$0x1A6A0] =	vst v0;
	v0 =	vld [tilespmem:s28+$0x186C0]  }
0x31: {  	v1 =	vld.idx.msk [tilespmem:v1+s3+$0x0], $0xffff;
	_ =	sdelay $0x4  }
0x32: {  	[tilespmem:s28+$0x1A6B0] =	vst v1;
	v1 =	vld [tilespmem:s28+$0x186D0];
	_ =	sdelay $0x1  }
0x33: {  	v0 =	vld.idx.msk [tilespmem:v0+s3+$0x0], $0xffff;
	_ =	sdelay $0x4  }
0x34: {  	[tilespmem:s28+$0x1A6C0] =	vst v0;
	v0 =	vld [tilespmem:s28+$0x186E0]  }
0x35: {  	v1 =	vld.idx.msk [tilespmem:v1+s3+$0x0], $0xffff;
	_ =	sdelay $0x4  }
0x36: {  	[tilespmem:s28+$0x1A6D0] =	vst v1;
	v1 =	vld [tilespmem:s28+$0x186F0];
	_ =	sdelay $0x1  }
0x37: {  	v0 =	vld.idx.msk [tilespmem:v0+s3+$0x0], $0xffff;
	_ =	sdelay $0x4  }
0x38: {  	[tilespmem:s28+$0x1A6E0] =	vst v0;
	v0 =	vld [tilespmem:s28+$0x18700]  }
0x39: {  	v1 =	vld.idx.msk [tilespmem:v1+s3+$0x0], $0xffff;
	_ =	sdelay $0x4  }
0x3a: {  	[tilespmem:s28+$0x1A6F0] =	vst v1;
	v1 =	vld [tilespmem:s28+$0x18710];
	_ =	sdelay $0x1  }
0x3b: {  	v0 =	vld.idx.msk [tilespmem:v0+s3+$0x0], $0xffff;
	_ =	sdelay $0x4  }
0x3c: {  	[tilespmem:s28+$0x1A700] =	vst v0;
	v0 =	vld [tilespmem:s28+$0x18720]  }
0x3d: {  	v1 =	vld.idx.msk [tilespmem:v1+s3+$0x0], $0xffff;
	_ =	sdelay $0x4  }
0x3e: {  	[tilespmem:s28+$0x1A710] =	vst v1;
	v1 =	vld [tilespmem:s28+$0x18730];
	_ =	sdelay $0x1  }
0x3f: {  	v0 =	vld.idx.msk [tilespmem:v0+s3+$0x0], $0xffff;
	_ =	sdelay $0x4  }
0x40: {  	[tilespmem:s28+$0x1A720] =	vst v0;
	v0 =	vld [tilespmem:s28+$0x18740]  }
0x41: {  	v1 =	vld.idx.msk [tilespmem:v1+s3+$0x0], $0xffff;
	_ =	sdelay $0x4  }
0x42: {  	[tilespmem:s28+$0x1A730] =	vst v1;
	v1 =	vld [tilespmem:s28+$0x18750];
	_ =	sdelay $0x1  }
0x43: {  	v0 =	vld.idx.msk [tilespmem:v0+s3+$0x0], $0xffff;
	_ =	sdelay $0x4  }
0x44: {  	[tilespmem:s28+$0x1A740] =	vst v0;
	v0 =	vld [tilespmem:s28+$0x18760]  }
0x45: {  	v1 =	vld.idx.msk [tilespmem:v1+s3+$0x0], $0xffff;
	_ =	sdelay $0x4  }
0x46: {  	[tilespmem:s28+$0x1A750] =	vst v1;
	v1 =	vld [tilespmem:s28+$0x18770];
	_ =	sdelay $0x1  }
0x47: {  	v0 =	vld.idx.msk [tilespmem:v0+s3+$0x0], $0xffff;
	_ =	sdelay $0x4  }
0x48: {  	v2 =	vld [tilespmem:s28+$0x18780];
	[tilespmem:s28+$0x1A760] =	vst v0  }
0x49: {  	v0 =	vld.idx.msk [tilespmem:v1+s3+$0x0], $0xffff;
	_ =	sdelay $0x4  }
0x4a: {  	[tilespmem:s28+$0x1A770] =	vst v0;
	v0 =	vld [tilespmem:s28+$0x18790];
	_ =	sdelay $0x1  }
0x4b: {  	v1 =	vld.idx.msk [tilespmem:v2+s3+$0x0], $0xffff;
	_ =	sdelay $0x3  }
0x4c: {  	s31 =	simm.s32 $0x100;
	s30 =	simm.s32 $0x800  }
.LBB2_3:
0x4d: {  	p0 =	sne.s32 s30, $0x3C00;
	v2 =	vld [tilespmem:s31+$0x186A0];
	[tilespmem:s28+$0x1A780] =	vst v1  }
0x4e: {  	v0 =	vld.idx.msk [tilespmem:v0+s3+$0x0], $0xffff;
	_ =	sdelay $0x5  }
0x4f: {  	v1 =	vld [tilespmem:s31+$0x186B0];
	[tilespmem:s28+$0x1A790] =	vst v0;
	s28 =	smov.u32 s31  }
0x50: {  	v0 =	vld.idx.msk [tilespmem:v2+s3+$0x0], $0xffff;
	_ =	sdelay $0x5  }
0x51: {  	[tilespmem:s28+$0x1A6A0] =	vst v0;
	v0 =	vld [tilespmem:s28+$0x186C0]  }
0x52: {  	v1 =	vld.idx.msk [tilespmem:v1+s3+$0x0], $0xffff;
	_ =	sdelay $0x5  }
0x53: {  	[tilespmem:s28+$0x1A6B0] =	vst v1;
	v1 =	vld [tilespmem:s28+$0x186D0]  }
0x54: {  	v0 =	vld.idx.msk [tilespmem:v0+s3+$0x0], $0xffff;
	_ =	sdelay $0x5  }
0x55: {  	[tilespmem:s28+$0x1A6C0] =	vst v0;
	v0 =	vld [tilespmem:s28+$0x186E0]  }
0x56: {  	v1 =	vld.idx.msk [tilespmem:v1+s3+$0x0], $0xffff;
	_ =	sdelay $0x5  }
0x57: {  	[tilespmem:s28+$0x1A6D0] =	vst v1;
	v1 =	vld [tilespmem:s28+$0x186F0]  }
0x58: {  	v0 =	vld.idx.msk [tilespmem:v0+s3+$0x0], $0xffff;
	_ =	sdelay $0x5  }
0x59: {  	[tilespmem:s28+$0x1A6E0] =	vst v0;
	v0 =	vld [tilespmem:s28+$0x18700]  }
0x5a: {  	v1 =	vld.idx.msk [tilespmem:v1+s3+$0x0], $0xffff;
	_ =	sdelay $0x5  }
0x5b: {  	[tilespmem:s28+$0x1A6F0] =	vst v1;
	v1 =	vld [tilespmem:s28+$0x18710]  }
0x5c: {  	v0 =	vld.idx.msk [tilespmem:v0+s3+$0x0], $0xffff;
	_ =	sdelay $0x5  }
0x5d: {  	[tilespmem:s28+$0x1A700] =	vst v0;
	v0 =	vld [tilespmem:s28+$0x18720]  }
0x5e: {  	v1 =	vld.idx.msk [tilespmem:v1+s3+$0x0], $0xffff;
	_ =	sdelay $0x5  }
0x5f: {  	[tilespmem:s28+$0x1A710] =	vst v1;
	v1 =	vld [tilespmem:s28+$0x18730]  }
0x60: {  	v0 =	vld.idx.msk [tilespmem:v0+s3+$0x0], $0xffff;
	_ =	sdelay $0x5  }
0x61: {  	[tilespmem:s28+$0x1A720] =	vst v0;
	v0 =	vld [tilespmem:s28+$0x18740]  }
0x62: {  	v1 =	vld.idx.msk [tilespmem:v1+s3+$0x0], $0xffff;
	_ =	sdelay $0x5  }
0x63: {  	[tilespmem:s28+$0x1A730] =	vst v1;
	v1 =	vld [tilespmem:s28+$0x18750]  }
0x64: {  	v0 =	vld.idx.msk [tilespmem:v0+s3+$0x0], $0xffff;
	_ =	sdelay $0x5  }
0x65: {  	[tilespmem:s28+$0x1A740] =	vst v0;
	v0 =	vld [tilespmem:s28+$0x18760]  }
0x66: {  	v1 =	vld.idx.msk [tilespmem:v1+s3+$0x0], $0xffff;
	_ =	sdelay $0x5  }
0x67: {  	[tilespmem:s28+$0x1A750] =	vst v1;
	v1 =	vld [tilespmem:s28+$0x18770]  }
0x68: {  	v0 =	vld.idx.msk [tilespmem:v0+s3+$0x0], $0xffff;
	_ =	sdelay $0x5  }
0x69: {  	[tilespmem:s28+$0x1A760] =	vst v0;
	v2 =	vld [tilespmem:s28+$0x18780]  }
0x6a: {  	v0 =	vld.idx.msk [tilespmem:v1+s3+$0x0], $0xffff;
	_ =	sdelay $0x5  }
0x6b: {  	[tilespmem:s28+$0x1A770] =	vst v0;
	v0 =	vld [tilespmem:s28+$0x18790]  }
0x6c: {  	v1 =	vld.idx.msk [tilespmem:v2+s3+$0x0], $0xffff  }
.Ltmp0:
0x6d: {  	(pc) =	sbr.rel @p0 .LBB2_3-.Ltmp0, $2  }
0x6e: {  	_ =	sdelay $0x2  }
0x6f: {  	s31 =	sshra.s32 s30, $0x2;
	s30 =	sadd.s32 $0x400, s30  }
0x70: {  	_ =	sdelay $0x1  }
0x71: {  	v2 =	vld [tilespmem:s31+$0x186A0]  }
0x72: {  	[tilespmem:s28+$0x1A780] =	vst v1  }
0x73: {  	v0 =	vld.idx.msk [tilespmem:v0+s3+$0x0], $0xffff;
	_ =	sdelay $0x3  }
0x74: {  	v1 =	vld [tilespmem:s31+$0x186B0]  }
0x75: {  	[tilespmem:s28+$0x1A790] =	vst v0  }
0x76: {  	v0 =	vld.idx.msk [tilespmem:v2+s3+$0x0], $0xffff;
	_ =	sdelay $0x4  }
0x77: {  	[tilespmem:s31+$0x1A6A0] =	vst v0;
	v0 =	vld [tilespmem:s31+$0x186C0]  }
0x78: {  	v1 =	vld.idx.msk [tilespmem:v1+s3+$0x0], $0xffff;
	_ =	sdelay $0x4  }
0x79: {  	[tilespmem:s31+$0x1A6B0] =	vst v1;
	v1 =	vld [tilespmem:s31+$0x186D0];
	_ =	sdelay $0x1  }
0x7a: {  	v0 =	vld.idx.msk [tilespmem:v0+s3+$0x0], $0xffff;
	_ =	sdelay $0x4  }
0x7b: {  	[tilespmem:s31+$0x1A6C0] =	vst v0;
	v0 =	vld [tilespmem:s31+$0x186E0]  }
0x7c: {  	v1 =	vld.idx.msk [tilespmem:v1+s3+$0x0], $0xffff;
	_ =	sdelay $0x4  }
0x7d: {  	[tilespmem:s31+$0x1A6D0] =	vst v1;
	v1 =	vld [tilespmem:s31+$0x186F0];
	_ =	sdelay $0x1  }
0x7e: {  	v0 =	vld.idx.msk [tilespmem:v0+s3+$0x0], $0xffff;
	_ =	sdelay $0x4  }
0x7f: {  	[tilespmem:s31+$0x1A6E0] =	vst v0;
	v0 =	vld [tilespmem:s31+$0x18700]  }
0x80: {  	v1 =	vld.idx.msk [tilespmem:v1+s3+$0x0], $0xffff;
	_ =	sdelay $0x4  }
0x81: {  	[tilespmem:s31+$0x1A6F0] =	vst v1;
	v1 =	vld [tilespmem:s31+$0x18710];
	_ =	sdelay $0x1  }
0x82: {  	v0 =	vld.idx.msk [tilespmem:v0+s3+$0x0], $0xffff;
	_ =	sdelay $0x4  }
0x83: {  	[tilespmem:s31+$0x1A700] =	vst v0;
	v0 =	vld [tilespmem:s31+$0x18720]  }
0x84: {  	v1 =	vld.idx.msk [tilespmem:v1+s3+$0x0], $0xffff;
	_ =	sdelay $0x4  }
0x85: {  	[tilespmem:s31+$0x1A710] =	vst v1;
	v1 =	vld [tilespmem:s31+$0x18730];
	_ =	sdelay $0x1  }
0x86: {  	v0 =	vld.idx.msk [tilespmem:v0+s3+$0x0], $0xffff;
	_ =	sdelay $0x4  }
0x87: {  	[tilespmem:s31+$0x1A720] =	vst v0;
	v0 =	vld [tilespmem:s31+$0x18740]  }
0x88: {  	v1 =	vld.idx.msk [tilespmem:v1+s3+$0x0], $0xffff;
	_ =	sdelay $0x4  }
0x89: {  	[tilespmem:s31+$0x1A730] =	vst v1;
	v1 =	vld [tilespmem:s31+$0x18750];
	_ =	sdelay $0x1  }
0x8a: {  	v0 =	vld.idx.msk [tilespmem:v0+s3+$0x0], $0xffff;
	_ =	sdelay $0x4  }
0x8b: {  	[tilespmem:s31+$0x1A740] =	vst v0;
	v0 =	vld [tilespmem:s31+$0x18760]  }
0x8c: {  	v1 =	vld.idx.msk [tilespmem:v1+s3+$0x0], $0xffff;
	_ =	sdelay $0x4  }
0x8d: {  	[tilespmem:s31+$0x1A750] =	vst v1;
	v1 =	vld [tilespmem:s31+$0x18770];
	_ =	sdelay $0x1  }
0x8e: {  	v0 =	vld.idx.msk [tilespmem:v0+s3+$0x0], $0xffff;
	_ =	sdelay $0x4  }
0x8f: {  	[tilespmem:s31+$0x1A760] =	vst v0;
	v0 =	vld [tilespmem:s31+$0x18780]  }
0x90: {  	v1 =	vld.idx.msk [tilespmem:v1+s3+$0x0], $0xffff;
	_ =	sdelay $0x4  }
0x91: {  	[tilespmem:s31+$0x1A770] =	vst v1;
	v1 =	vld [tilespmem:s31+$0x18790];
	_ =	sdelay $0x1  }
0x92: {  	v0 =	vld.idx.msk [tilespmem:v0+s3+$0x0], $0xffff;
	_ =	sdelay $0x4  }
0x93: {  	[tilespmem:s31+$0x1A780] =	vst v0  }
0x94: {  	v0 =	vld.idx.msk [tilespmem:v1+s3+$0x0], $0xffff;
	_ =	sdelay $0x2  }
0x95: {  	s0 =	sshll.u32 s26, $0x10  }
0x96: {  	s28 =	sor.u32 s8, s0  }
0x97: {  	s30 =	simm.s32 $0x0;
	s0 =	sadd.s32 s5, s28;
	[tilespmem:s31+$0x1A790] =	vst v0  }
0x98: {  	[hbm4b:s0+s30] =	stream.linear.scatter [tilespmem:s22], [sflag:$0x2], $0x1000, $0x38;
	[tilespmem:$0x1C6A0] =	vst v63  }
0x99: {  	_ =	swait.ge [sflag:s20], $0x1000  }
0x9a: {  	[sflag:s20] =	ssyncset.done $0x0  }
0x9b: {  	s0 =	sadd.s32 s29, s9;
	[sflag:s20] =	ssyncadd.s32 $0xFFFFF000  }
0x9c: {  	[tilespmem:s15], [sflag:$0x1] =	stream.linear.gather [hbm4b:s0+s30], $0x1000, $0x38;
	[tilespmem:$0x1C6A0] =	vst v63  }
0x9d: {  	s30 =	simm.s32 $0x0  }
0x9e: {  	v0 =	vld [tilespmem:s30+$0x196A0];
	_ =	sdelay $0x5  }
0x9f: {  	v1 =	vld [tilespmem:s30+$0x196B0];
	_ =	sdelay $0x1  }
0xa0: {  	v0 =	vld.idx.msk [tilespmem:v0+s3+$0x0], $0xffff;
	_ =	sdelay $0x4  }
0xa1: {  	[tilespmem:s30+$0x1B6A0] =	vst v0;
	v0 =	vld [tilespmem:s30+$0x196C0]  }
0xa2: {  	v1 =	vld.idx.msk [tilespmem:v1+s3+$0x0], $0xffff;
	_ =	sdelay $0x4  }
0xa3: {  	[tilespmem:s30+$0x1B6B0] =	vst v1;
	v1 =	vld [tilespmem:s30+$0x196D0];
	_ =	sdelay $0x1  }
0xa4: {  	v0 =	vld.idx.msk [tilespmem:v0+s3+$0x0], $0xffff;
	_ =	sdelay $0x4  }
0xa5: {  	[tilespmem:s30+$0x1B6C0] =	vst v0;
	v0 =	vld [tilespmem:s30+$0x196E0]  }
0xa6: {  	v1 =	vld.idx.msk [tilespmem:v1+s3+$0x0], $0xffff;
	_ =	sdelay $0x4  }
0xa7: {  	[tilespmem:s30+$0x1B6D0] =	vst v1;
	v1 =	vld [tilespmem:s30+$0x196F0];
	_ =	sdelay $0x1  }
0xa8: {  	v0 =	vld.idx.msk [tilespmem:v0+s3+$0x0], $0xffff;
	_ =	sdelay $0x4  }
0xa9: {  	[tilespmem:s30+$0x1B6E0] =	vst v0;
	v0 =	vld [tilespmem:s30+$0x19700]  }
0xaa: {  	v1 =	vld.idx.msk [tilespmem:v1+s3+$0x0], $0xffff;
	_ =	sdelay $0x4  }
0xab: {  	[tilespmem:s30+$0x1B6F0] =	vst v1;
	v1 =	vld [tilespmem:s30+$0x19710];
	_ =	sdelay $0x1  }
0xac: {  	v0 =	vld.idx.msk [tilespmem:v0+s3+$0x0], $0xffff;
	_ =	sdelay $0x4  }
0xad: {  	[tilespmem:s30+$0x1B700] =	vst v0;
	v0 =	vld [tilespmem:s30+$0x19720]  }
0xae: {  	v1 =	vld.idx.msk [tilespmem:v1+s3+$0x0], $0xffff;
	_ =	sdelay $0x4  }
0xaf: {  	[tilespmem:s30+$0x1B710] =	vst v1;
	v1 =	vld [tilespmem:s30+$0x19730];
	_ =	sdelay $0x1  }
0xb0: {  	v0 =	vld.idx.msk [tilespmem:v0+s3+$0x0], $0xffff;
	_ =	sdelay $0x4  }
0xb1: {  	[tilespmem:s30+$0x1B720] =	vst v0;
	v0 =	vld [tilespmem:s30+$0x19740]  }
0xb2: {  	v1 =	vld.idx.msk [tilespmem:v1+s3+$0x0], $0xffff;
	_ =	sdelay $0x4  }
0xb3: {  	[tilespmem:s30+$0x1B730] =	vst v1;
	v1 =	vld [tilespmem:s30+$0x19750];
	_ =	sdelay $0x1  }
0xb4: {  	v0 =	vld.idx.msk [tilespmem:v0+s3+$0x0], $0xffff;
	_ =	sdelay $0x4  }
0xb5: {  	[tilespmem:s30+$0x1B740] =	vst v0;
	v0 =	vld [tilespmem:s30+$0x19760]  }
0xb6: {  	v1 =	vld.idx.msk [tilespmem:v1+s3+$0x0], $0xffff;
	_ =	sdelay $0x4  }
0xb7: {  	[tilespmem:s30+$0x1B750] =	vst v1;
	v1 =	vld [tilespmem:s30+$0x19770];
	_ =	sdelay $0x1  }
0xb8: {  	v0 =	vld.idx.msk [tilespmem:v0+s3+$0x0], $0xffff;
	_ =	sdelay $0x4  }
0xb9: {  	v2 =	vld [tilespmem:s30+$0x19780];
	[tilespmem:s30+$0x1B760] =	vst v0  }
0xba: {  	v0 =	vld.idx.msk [tilespmem:v1+s3+$0x0], $0xffff;
	_ =	sdelay $0x4  }
0xbb: {  	[tilespmem:s30+$0x1B770] =	vst v0;
	v0 =	vld [tilespmem:s30+$0x19790];
	_ =	sdelay $0x1  }
0xbc: {  	v1 =	vld.idx.msk [tilespmem:v2+s3+$0x0], $0xffff;
	_ =	sdelay $0x3  }
0xbd: {  	s31 =	simm.s32 $0x800;
	s0 =	simm.s32 $0x100  }
.LBB2_5:
0xbe: {  	p0 =	sne.s32 s31, $0x3C00;
	v2 =	vld [tilespmem:s0+$0x196A0];
	[tilespmem:s30+$0x1B780] =	vst v1  }
0xbf: {  	v0 =	vld.idx.msk [tilespmem:v0+s3+$0x0], $0xffff;
	_ =	sdelay $0x5  }
0xc0: {  	v1 =	vld [tilespmem:s0+$0x196B0];
	[tilespmem:s30+$0x1B790] =	vst v0;
	s30 =	smov.u32 s0  }
0xc1: {  	v0 =	vld.idx.msk [tilespmem:v2+s3+$0x0], $0xffff;
	_ =	sdelay $0x5  }
0xc2: {  	[tilespmem:s30+$0x1B6A0] =	vst v0;
	v0 =	vld [tilespmem:s30+$0x196C0]  }
0xc3: {  	v1 =	vld.idx.msk [tilespmem:v1+s3+$0x0], $0xffff;
	_ =	sdelay $0x5  }
0xc4: {  	[tilespmem:s30+$0x1B6B0] =	vst v1;
	v1 =	vld [tilespmem:s30+$0x196D0]  }
0xc5: {  	v0 =	vld.idx.msk [tilespmem:v0+s3+$0x0], $0xffff;
	_ =	sdelay $0x5  }
0xc6: {  	[tilespmem:s30+$0x1B6C0] =	vst v0;
	v0 =	vld [tilespmem:s30+$0x196E0]  }
0xc7: {  	v1 =	vld.idx.msk [tilespmem:v1+s3+$0x0], $0xffff;
	_ =	sdelay $0x5  }
0xc8: {  	[tilespmem:s30+$0x1B6D0] =	vst v1;
	v1 =	vld [tilespmem:s30+$0x196F0]  }
0xc9: {  	v0 =	vld.idx.msk [tilespmem:v0+s3+$0x0], $0xffff;
	_ =	sdelay $0x5  }
0xca: {  	[tilespmem:s30+$0x1B6E0] =	vst v0;
	v0 =	vld [tilespmem:s30+$0x19700]  }
0xcb: {  	v1 =	vld.idx.msk [tilespmem:v1+s3+$0x0], $0xffff;
	_ =	sdelay $0x5  }
0xcc: {  	[tilespmem:s30+$0x1B6F0] =	vst v1;
	v1 =	vld [tilespmem:s30+$0x19710]  }
0xcd: {  	v0 =	vld.idx.msk [tilespmem:v0+s3+$0x0], $0xffff;
	_ =	sdelay $0x5  }
0xce: {  	[tilespmem:s30+$0x1B700] =	vst v0;
	v0 =	vld [tilespmem:s30+$0x19720]  }
0xcf: {  	v1 =	vld.idx.msk [tilespmem:v1+s3+$0x0], $0xffff;
	_ =	sdelay $0x5  }
0xd0: {  	[tilespmem:s30+$0x1B710] =	vst v1;
	v1 =	vld [tilespmem:s30+$0x19730]  }
0xd1: {  	v0 =	vld.idx.msk [tilespmem:v0+s3+$0x0], $0xffff;
	_ =	sdelay $0x5  }
0xd2: {  	[tilespmem:s30+$0x1B720] =	vst v0;
	v0 =	vld [tilespmem:s30+$0x19740]  }
0xd3: {  	v1 =	vld.idx.msk [tilespmem:v1+s3+$0x0], $0xffff;
	_ =	sdelay $0x5  }
0xd4: {  	[tilespmem:s30+$0x1B730] =	vst v1;
	v1 =	vld [tilespmem:s30+$0x19750]  }
0xd5: {  	v0 =	vld.idx.msk [tilespmem:v0+s3+$0x0], $0xffff;
	_ =	sdelay $0x5  }
0xd6: {  	[tilespmem:s30+$0x1B740] =	vst v0;
	v0 =	vld [tilespmem:s30+$0x19760]  }
0xd7: {  	v1 =	vld.idx.msk [tilespmem:v1+s3+$0x0], $0xffff;
	_ =	sdelay $0x5  }
0xd8: {  	[tilespmem:s30+$0x1B750] =	vst v1;
	v1 =	vld [tilespmem:s30+$0x19770]  }
0xd9: {  	v0 =	vld.idx.msk [tilespmem:v0+s3+$0x0], $0xffff;
	_ =	sdelay $0x5  }
0xda: {  	[tilespmem:s30+$0x1B760] =	vst v0;
	v2 =	vld [tilespmem:s30+$0x19780]  }
0xdb: {  	v0 =	vld.idx.msk [tilespmem:v1+s3+$0x0], $0xffff;
	_ =	sdelay $0x5  }
0xdc: {  	[tilespmem:s30+$0x1B770] =	vst v0;
	v0 =	vld [tilespmem:s30+$0x19790]  }
0xdd: {  	v1 =	vld.idx.msk [tilespmem:v2+s3+$0x0], $0xffff  }
.Ltmp1:
0xde: {  	(pc) =	sbr.rel @p0 .LBB2_5-.Ltmp1, $2  }
0xdf: {  	_ =	sdelay $0x2  }
0xe0: {  	s0 =	sshra.s32 s31, $0x2;
	s31 =	sadd.s32 $0x400, s31  }
0xe1: {  	_ =	sdelay $0x1  }
0xe2: {  	v2 =	vld [tilespmem:s0+$0x196A0]  }
0xe3: {  	[tilespmem:s30+$0x1B780] =	vst v1  }
0xe4: {  	v0 =	vld.idx.msk [tilespmem:v0+s3+$0x0], $0xffff;
	_ =	sdelay $0x3  }
0xe5: {  	v1 =	vld [tilespmem:s0+$0x196B0]  }
0xe6: {  	[tilespmem:s30+$0x1B790] =	vst v0  }
0xe7: {  	v0 =	vld.idx.msk [tilespmem:v2+s3+$0x0], $0xffff;
	_ =	sdelay $0x4  }
0xe8: {  	[tilespmem:s0+$0x1B6A0] =	vst v0;
	v0 =	vld [tilespmem:s0+$0x196C0]  }
0xe9: {  	v1 =	vld.idx.msk [tilespmem:v1+s3+$0x0], $0xffff;
	_ =	sdelay $0x4  }
0xea: {  	[tilespmem:s0+$0x1B6B0] =	vst v1;
	v1 =	vld [tilespmem:s0+$0x196D0];
	_ =	sdelay $0x1  }
0xeb: {  	v0 =	vld.idx.msk [tilespmem:v0+s3+$0x0], $0xffff;
	_ =	sdelay $0x4  }
0xec: {  	[tilespmem:s0+$0x1B6C0] =	vst v0;
	v0 =	vld [tilespmem:s0+$0x196E0]  }
0xed: {  	v1 =	vld.idx.msk [tilespmem:v1+s3+$0x0], $0xffff;
	_ =	sdelay $0x4  }
0xee: {  	[tilespmem:s0+$0x1B6D0] =	vst v1;
	v1 =	vld [tilespmem:s0+$0x196F0];
	_ =	sdelay $0x1  }
0xef: {  	v0 =	vld.idx.msk [tilespmem:v0+s3+$0x0], $0xffff;
	_ =	sdelay $0x4  }
0xf0: {  	[tilespmem:s0+$0x1B6E0] =	vst v0;
	v0 =	vld [tilespmem:s0+$0x19700]  }
0xf1: {  	v1 =	vld.idx.msk [tilespmem:v1+s3+$0x0], $0xffff;
	_ =	sdelay $0x4  }
0xf2: {  	[tilespmem:s0+$0x1B6F0] =	vst v1;
	v1 =	vld [tilespmem:s0+$0x19710];
	_ =	sdelay $0x1  }
0xf3: {  	v0 =	vld.idx.msk [tilespmem:v0+s3+$0x0], $0xffff;
	_ =	sdelay $0x4  }
0xf4: {  	[tilespmem:s0+$0x1B700] =	vst v0;
	v0 =	vld [tilespmem:s0+$0x19720]  }
0xf5: {  	v1 =	vld.idx.msk [tilespmem:v1+s3+$0x0], $0xffff;
	_ =	sdelay $0x4  }
0xf6: {  	[tilespmem:s0+$0x1B710] =	vst v1;
	v1 =	vld [tilespmem:s0+$0x19730];
	_ =	sdelay $0x1  }
0xf7: {  	v0 =	vld.idx.msk [tilespmem:v0+s3+$0x0], $0xffff;
	_ =	sdelay $0x4  }
0xf8: {  	[tilespmem:s0+$0x1B720] =	vst v0;
	v0 =	vld [tilespmem:s0+$0x19740]  }
0xf9: {  	v1 =	vld.idx.msk [tilespmem:v1+s3+$0x0], $0xffff;
	_ =	sdelay $0x4  }
0xfa: {  	[tilespmem:s0+$0x1B730] =	vst v1;
	v1 =	vld [tilespmem:s0+$0x19750];
	_ =	sdelay $0x1  }
0xfb: {  	v0 =	vld.idx.msk [tilespmem:v0+s3+$0x0], $0xffff;
	_ =	sdelay $0x4  }
0xfc: {  	[tilespmem:s0+$0x1B740] =	vst v0;
	v0 =	vld [tilespmem:s0+$0x19760]  }
0xfd: {  	v1 =	vld.idx.msk [tilespmem:v1+s3+$0x0], $0xffff;
	_ =	sdelay $0x4  }
0xfe: {  	[tilespmem:s0+$0x1B750] =	vst v1;
	v1 =	vld [tilespmem:s0+$0x19770];
	_ =	sdelay $0x1  }
0xff: {  	v0 =	vld.idx.msk [tilespmem:v0+s3+$0x0], $0xffff;
	_ =	sdelay $0x4  }
0x100: {  	[tilespmem:s0+$0x1B760] =	vst v0;
	v0 =	vld [tilespmem:s0+$0x19780]  }
0x101: {  	v1 =	vld.idx.msk [tilespmem:v1+s3+$0x0], $0xffff;
	_ =	sdelay $0x4  }
0x102: {  	[tilespmem:s0+$0x1B770] =	vst v1;
	v1 =	vld [tilespmem:s0+$0x19790];
	_ =	sdelay $0x1  }
0x103: {  	v0 =	vld.idx.msk [tilespmem:v0+s3+$0x0], $0xffff;
	_ =	sdelay $0x4  }
0x104: {  	[tilespmem:s0+$0x1B780] =	vst v0  }
0x105: {  	v0 =	vld.idx.msk [tilespmem:v1+s3+$0x0], $0xffff;
	_ =	sdelay $0x4  }
0x106: {  	s31 =	sadd.s32 s28, s10;
	s30 =	simm.s32 $0x0;
	[tilespmem:s0+$0x1B790] =	vst v0  }
0x107: {  	[hbm4b:s31+s30] =	stream.linear.scatter [tilespmem:s23], [sflag:$0x2], $0x1000, $0x38;
	[tilespmem:$0x1C6A0] =	vst v63  }
0x108: {  	_ =	swait.ge [sflag:s20], $0x1000  }
0x109: {  	[sflag:s20] =	ssyncset.done $0x0  }
0x10a: {  	s31 =	sadd.s32 s29, s11;
	[sflag:s20] =	ssyncadd.s32 $0xFFFFF000  }
0x10b: {  	[tilespmem:s21], [sflag:$0x1] =	stream.linear.gather [hbm4b:s31+s30], $0x1000, $0x38;
	[tilespmem:$0x1C6A0] =	vst v63  }
0x10c: {  	_ =	swait.ge [sflag:s24], $0x1000  }
0x10d: {  	[sflag:s24] =	ssyncset.done $0x0  }
0x10e: {  	s29 =	simm.s32 $0x0;
	[sflag:s24] =	ssyncadd.s32 $0xFFFFF000  }
0x10f: {  	v0 =	vld [tilespmem:s29+$0x186A0];
	_ =	sdelay $0x5  }
0x110: {  	v1 =	vld [tilespmem:s29+$0x186B0];
	_ =	sdelay $0x1  }
0x111: {  	v0 =	vld.idx.msk [tilespmem:v0+s3+$0x0], $0xffff;
	_ =	sdelay $0x4  }
0x112: {  	[tilespmem:s29+$0x1A6A0] =	vst v0;
	v0 =	vld [tilespmem:s29+$0x186C0]  }
0x113: {  	v1 =	vld.idx.msk [tilespmem:v1+s3+$0x0], $0xffff;
	_ =	sdelay $0x4  }
0x114: {  	[tilespmem:s29+$0x1A6B0] =	vst v1;
	v1 =	vld [tilespmem:s29+$0x186D0];
	_ =	sdelay $0x1  }
0x115: {  	v0 =	vld.idx.msk [tilespmem:v0+s3+$0x0], $0xffff;
	_ =	sdelay $0x4  }
0x116: {  	[tilespmem:s29+$0x1A6C0] =	vst v0;
	v0 =	vld [tilespmem:s29+$0x186E0]  }
0x117: {  	v1 =	vld.idx.msk [tilespmem:v1+s3+$0x0], $0xffff;
	_ =	sdelay $0x4  }
0x118: {  	[tilespmem:s29+$0x1A6D0] =	vst v1;
	v1 =	vld [tilespmem:s29+$0x186F0];
	_ =	sdelay $0x1  }
0x119: {  	v0 =	vld.idx.msk [tilespmem:v0+s3+$0x0], $0xffff;
	_ =	sdelay $0x4  }
0x11a: {  	[tilespmem:s29+$0x1A6E0] =	vst v0;
	v0 =	vld [tilespmem:s29+$0x18700]  }
0x11b: {  	v1 =	vld.idx.msk [tilespmem:v1+s3+$0x0], $0xffff;
	_ =	sdelay $0x4  }
0x11c: {  	[tilespmem:s29+$0x1A6F0] =	vst v1;
	v1 =	vld [tilespmem:s29+$0x18710];
	_ =	sdelay $0x1  }
0x11d: {  	v0 =	vld.idx.msk [tilespmem:v0+s3+$0x0], $0xffff;
	_ =	sdelay $0x4  }
0x11e: {  	[tilespmem:s29+$0x1A700] =	vst v0;
	v0 =	vld [tilespmem:s29+$0x18720]  }
0x11f: {  	v1 =	vld.idx.msk [tilespmem:v1+s3+$0x0], $0xffff;
	_ =	sdelay $0x4  }
0x120: {  	[tilespmem:s29+$0x1A710] =	vst v1;
	v1 =	vld [tilespmem:s29+$0x18730];
	_ =	sdelay $0x1  }
0x121: {  	v0 =	vld.idx.msk [tilespmem:v0+s3+$0x0], $0xffff;
	_ =	sdelay $0x4  }
0x122: {  	[tilespmem:s29+$0x1A720] =	vst v0;
	v0 =	vld [tilespmem:s29+$0x18740]  }
0x123: {  	v1 =	vld.idx.msk [tilespmem:v1+s3+$0x0], $0xffff;
	_ =	sdelay $0x4  }
0x124: {  	[tilespmem:s29+$0x1A730] =	vst v1;
	v1 =	vld [tilespmem:s29+$0x18750];
	_ =	sdelay $0x1  }
0x125: {  	v0 =	vld.idx.msk [tilespmem:v0+s3+$0x0], $0xffff;
	_ =	sdelay $0x4  }
0x126: {  	[tilespmem:s29+$0x1A740] =	vst v0;
	v0 =	vld [tilespmem:s29+$0x18760]  }
0x127: {  	v1 =	vld.idx.msk [tilespmem:v1+s3+$0x0], $0xffff;
	_ =	sdelay $0x4  }
0x128: {  	[tilespmem:s29+$0x1A750] =	vst v1;
	v1 =	vld [tilespmem:s29+$0x18770];
	_ =	sdelay $0x1  }
0x129: {  	v0 =	vld.idx.msk [tilespmem:v0+s3+$0x0], $0xffff;
	_ =	sdelay $0x4  }
0x12a: {  	v2 =	vld [tilespmem:s29+$0x18780];
	[tilespmem:s29+$0x1A760] =	vst v0  }
0x12b: {  	v0 =	vld.idx.msk [tilespmem:v1+s3+$0x0], $0xffff;
	_ =	sdelay $0x4  }
0x12c: {  	[tilespmem:s29+$0x1A770] =	vst v0;
	v0 =	vld [tilespmem:s29+$0x18790];
	_ =	sdelay $0x1  }
0x12d: {  	v1 =	vld.idx.msk [tilespmem:v2+s3+$0x0], $0xffff;
	_ =	sdelay $0x3  }
0x12e: {  	s0 =	simm.s32 $0x100;
	s30 =	simm.s32 $0x800  }
.LBB2_7:
0x12f: {  	p0 =	sne.s32 s30, $0x3C00;
	v2 =	vld [tilespmem:s0+$0x186A0];
	[tilespmem:s29+$0x1A780] =	vst v1  }
0x130: {  	v0 =	vld.idx.msk [tilespmem:v0+s3+$0x0], $0xffff;
	_ =	sdelay $0x5  }
0x131: {  	v1 =	vld [tilespmem:s0+$0x186B0];
	[tilespmem:s29+$0x1A790] =	vst v0;
	s29 =	smov.u32 s0  }
0x132: {  	v0 =	vld.idx.msk [tilespmem:v2+s3+$0x0], $0xffff;
	_ =	sdelay $0x5  }
0x133: {  	[tilespmem:s29+$0x1A6A0] =	vst v0;
	v0 =	vld [tilespmem:s29+$0x186C0]  }
0x134: {  	v1 =	vld.idx.msk [tilespmem:v1+s3+$0x0], $0xffff;
	_ =	sdelay $0x5  }
0x135: {  	[tilespmem:s29+$0x1A6B0] =	vst v1;
	v1 =	vld [tilespmem:s29+$0x186D0]  }
0x136: {  	v0 =	vld.idx.msk [tilespmem:v0+s3+$0x0], $0xffff;
	_ =	sdelay $0x5  }
0x137: {  	[tilespmem:s29+$0x1A6C0] =	vst v0;
	v0 =	vld [tilespmem:s29+$0x186E0]  }
0x138: {  	v1 =	vld.idx.msk [tilespmem:v1+s3+$0x0], $0xffff;
	_ =	sdelay $0x5  }
0x139: {  	[tilespmem:s29+$0x1A6D0] =	vst v1;
	v1 =	vld [tilespmem:s29+$0x186F0]  }
0x13a: {  	v0 =	vld.idx.msk [tilespmem:v0+s3+$0x0], $0xffff;
	_ =	sdelay $0x5  }
0x13b: {  	[tilespmem:s29+$0x1A6E0] =	vst v0;
	v0 =	vld [tilespmem:s29+$0x18700]  }
0x13c: {  	v1 =	vld.idx.msk [tilespmem:v1+s3+$0x0], $0xffff;
	_ =	sdelay $0x5  }
0x13d: {  	[tilespmem:s29+$0x1A6F0] =	vst v1;
	v1 =	vld [tilespmem:s29+$0x18710]  }
0x13e: {  	v0 =	vld.idx.msk [tilespmem:v0+s3+$0x0], $0xffff;
	_ =	sdelay $0x5  }
0x13f: {  	[tilespmem:s29+$0x1A700] =	vst v0;
	v0 =	vld [tilespmem:s29+$0x18720]  }
0x140: {  	v1 =	vld.idx.msk [tilespmem:v1+s3+$0x0], $0xffff;
	_ =	sdelay $0x5  }
0x141: {  	[tilespmem:s29+$0x1A710] =	vst v1;
	v1 =	vld [tilespmem:s29+$0x18730]  }
0x142: {  	v0 =	vld.idx.msk [tilespmem:v0+s3+$0x0], $0xffff;
	_ =	sdelay $0x5  }
0x143: {  	[tilespmem:s29+$0x1A720] =	vst v0;
	v0 =	vld [tilespmem:s29+$0x18740]  }
0x144: {  	v1 =	vld.idx.msk [tilespmem:v1+s3+$0x0], $0xffff;
	_ =	sdelay $0x5  }
0x145: {  	[tilespmem:s29+$0x1A730] =	vst v1;
	v1 =	vld [tilespmem:s29+$0x18750]  }
0x146: {  	v0 =	vld.idx.msk [tilespmem:v0+s3+$0x0], $0xffff;
	_ =	sdelay $0x5  }
0x147: {  	[tilespmem:s29+$0x1A740] =	vst v0;
	v0 =	vld [tilespmem:s29+$0x18760]  }
0x148: {  	v1 =	vld.idx.msk [tilespmem:v1+s3+$0x0], $0xffff;
	_ =	sdelay $0x5  }
0x149: {  	[tilespmem:s29+$0x1A750] =	vst v1;
	v1 =	vld [tilespmem:s29+$0x18770]  }
0x14a: {  	v0 =	vld.idx.msk [tilespmem:v0+s3+$0x0], $0xffff;
	_ =	sdelay $0x5  }
0x14b: {  	[tilespmem:s29+$0x1A760] =	vst v0;
	v2 =	vld [tilespmem:s29+$0x18780]  }
0x14c: {  	v0 =	vld.idx.msk [tilespmem:v1+s3+$0x0], $0xffff;
	_ =	sdelay $0x5  }
0x14d: {  	[tilespmem:s29+$0x1A770] =	vst v0;
	v0 =	vld [tilespmem:s29+$0x18790]  }
0x14e: {  	v1 =	vld.idx.msk [tilespmem:v2+s3+$0x0], $0xffff  }
.Ltmp2:
0x14f: {  	(pc) =	sbr.rel @p0 .LBB2_7-.Ltmp2, $2  }
0x150: {  	_ =	sdelay $0x2  }
0x151: {  	s0 =	sshra.s32 s30, $0x2;
	s30 =	sadd.s32 $0x400, s30  }
0x152: {  	_ =	sdelay $0x1  }
0x153: {  	v2 =	vld [tilespmem:s0+$0x186A0]  }
0x154: {  	[tilespmem:s29+$0x1A780] =	vst v1  }
0x155: {  	v0 =	vld.idx.msk [tilespmem:v0+s3+$0x0], $0xffff;
	_ =	sdelay $0x3  }
0x156: {  	v1 =	vld [tilespmem:s0+$0x186B0]  }
0x157: {  	[tilespmem:s29+$0x1A790] =	vst v0  }
0x158: {  	v0 =	vld.idx.msk [tilespmem:v2+s3+$0x0], $0xffff;
	_ =	sdelay $0x4  }
0x159: {  	[tilespmem:s0+$0x1A6A0] =	vst v0;
	v0 =	vld [tilespmem:s0+$0x186C0]  }
0x15a: {  	v1 =	vld.idx.msk [tilespmem:v1+s3+$0x0], $0xffff;
	_ =	sdelay $0x4  }
0x15b: {  	[tilespmem:s0+$0x1A6B0] =	vst v1;
	v1 =	vld [tilespmem:s0+$0x186D0];
	_ =	sdelay $0x1  }
0x15c: {  	v0 =	vld.idx.msk [tilespmem:v0+s3+$0x0], $0xffff;
	_ =	sdelay $0x4  }
0x15d: {  	[tilespmem:s0+$0x1A6C0] =	vst v0;
	v0 =	vld [tilespmem:s0+$0x186E0]  }
0x15e: {  	v1 =	vld.idx.msk [tilespmem:v1+s3+$0x0], $0xffff;
	_ =	sdelay $0x4  }
0x15f: {  	[tilespmem:s0+$0x1A6D0] =	vst v1;
	v1 =	vld [tilespmem:s0+$0x186F0];
	_ =	sdelay $0x1  }
0x160: {  	v0 =	vld.idx.msk [tilespmem:v0+s3+$0x0], $0xffff;
	_ =	sdelay $0x4  }
0x161: {  	[tilespmem:s0+$0x1A6E0] =	vst v0;
	v0 =	vld [tilespmem:s0+$0x18700]  }
0x162: {  	v1 =	vld.idx.msk [tilespmem:v1+s3+$0x0], $0xffff;
	_ =	sdelay $0x4  }
0x163: {  	[tilespmem:s0+$0x1A6F0] =	vst v1;
	v1 =	vld [tilespmem:s0+$0x18710];
	_ =	sdelay $0x1  }
0x164: {  	v0 =	vld.idx.msk [tilespmem:v0+s3+$0x0], $0xffff;
	_ =	sdelay $0x4  }
0x165: {  	[tilespmem:s0+$0x1A700] =	vst v0;
	v0 =	vld [tilespmem:s0+$0x18720]  }
0x166: {  	v1 =	vld.idx.msk [tilespmem:v1+s3+$0x0], $0xffff;
	_ =	sdelay $0x4  }
0x167: {  	[tilespmem:s0+$0x1A710] =	vst v1;
	v1 =	vld [tilespmem:s0+$0x18730];
	_ =	sdelay $0x1  }
0x168: {  	v0 =	vld.idx.msk [tilespmem:v0+s3+$0x0], $0xffff;
	_ =	sdelay $0x4  }
0x169: {  	[tilespmem:s0+$0x1A720] =	vst v0;
	v0 =	vld [tilespmem:s0+$0x18740]  }
0x16a: {  	v1 =	vld.idx.msk [tilespmem:v1+s3+$0x0], $0xffff;
	_ =	sdelay $0x4  }
0x16b: {  	[tilespmem:s0+$0x1A730] =	vst v1;
	v1 =	vld [tilespmem:s0+$0x18750];
	_ =	sdelay $0x1  }
0x16c: {  	v0 =	vld.idx.msk [tilespmem:v0+s3+$0x0], $0xffff;
	_ =	sdelay $0x4  }
0x16d: {  	[tilespmem:s0+$0x1A740] =	vst v0;
	v0 =	vld [tilespmem:s0+$0x18760]  }
0x16e: {  	v1 =	vld.idx.msk [tilespmem:v1+s3+$0x0], $0xffff;
	_ =	sdelay $0x4  }
0x16f: {  	[tilespmem:s0+$0x1A750] =	vst v1;
	v1 =	vld [tilespmem:s0+$0x18770];
	_ =	sdelay $0x1  }
0x170: {  	v0 =	vld.idx.msk [tilespmem:v0+s3+$0x0], $0xffff;
	_ =	sdelay $0x4  }
0x171: {  	[tilespmem:s0+$0x1A760] =	vst v0;
	v0 =	vld [tilespmem:s0+$0x18780]  }
0x172: {  	v1 =	vld.idx.msk [tilespmem:v1+s3+$0x0], $0xffff;
	_ =	sdelay $0x4  }
0x173: {  	[tilespmem:s0+$0x1A770] =	vst v1;
	v1 =	vld [tilespmem:s0+$0x18790];
	_ =	sdelay $0x1  }
0x174: {  	v0 =	vld.idx.msk [tilespmem:v0+s3+$0x0], $0xffff;
	_ =	sdelay $0x4  }
0x175: {  	[tilespmem:s0+$0x1A780] =	vst v0  }
0x176: {  	v0 =	vld.idx.msk [tilespmem:v1+s3+$0x0], $0xffff;
	_ =	sdelay $0x4  }
0x177: {  	s31 =	sadd.s32 s28, s12;
	s29 =	simm.s32 $0x0;
	[tilespmem:s0+$0x1A790] =	vst v0  }
0x178: {  	[hbm4b:s31+s29] =	stream.linear.scatter [tilespmem:s22], [sflag:$0x2], $0x1000, $0x38;
	[tilespmem:$0x1C6A0] =	vst v63  }
0x179: {  	_ =	swait.ge [sflag:s20], $0x1000  }
0x17a: {  	[sflag:s20] =	ssyncset.done $0x0  }
0x17b: {  	[sflag:s20] =	ssyncadd.s32 $0xFFFFF000  }
0x17c: {  	_ =	swait.ge [sflag:s24], $0x1000  }
0x17d: {  	[sflag:s24] =	ssyncset.done $0x0  }
0x17e: {  	s29 =	simm.s32 $0x0;
	[sflag:s24] =	ssyncadd.s32 $0xFFFFF000  }
0x17f: {  	v0 =	vld [tilespmem:s29+$0x196A0];
	_ =	sdelay $0x5  }
0x180: {  	v1 =	vld [tilespmem:s29+$0x196B0];
	_ =	sdelay $0x1  }
0x181: {  	v0 =	vld.idx.msk [tilespmem:v0+s3+$0x0], $0xffff;
	_ =	sdelay $0x4  }
0x182: {  	[tilespmem:s29+$0x1B6A0] =	vst v0;
	v0 =	vld [tilespmem:s29+$0x196C0]  }
0x183: {  	v1 =	vld.idx.msk [tilespmem:v1+s3+$0x0], $0xffff;
	_ =	sdelay $0x4  }
0x184: {  	[tilespmem:s29+$0x1B6B0] =	vst v1;
	v1 =	vld [tilespmem:s29+$0x196D0];
	_ =	sdelay $0x1  }
0x185: {  	v0 =	vld.idx.msk [tilespmem:v0+s3+$0x0], $0xffff;
	_ =	sdelay $0x4  }
0x186: {  	[tilespmem:s29+$0x1B6C0] =	vst v0;
	v0 =	vld [tilespmem:s29+$0x196E0]  }
0x187: {  	v1 =	vld.idx.msk [tilespmem:v1+s3+$0x0], $0xffff;
	_ =	sdelay $0x4  }
0x188: {  	[tilespmem:s29+$0x1B6D0] =	vst v1;
	v1 =	vld [tilespmem:s29+$0x196F0];
	_ =	sdelay $0x1  }
0x189: {  	v0 =	vld.idx.msk [tilespmem:v0+s3+$0x0], $0xffff;
	_ =	sdelay $0x4  }
0x18a: {  	[tilespmem:s29+$0x1B6E0] =	vst v0;
	v0 =	vld [tilespmem:s29+$0x19700]  }
0x18b: {  	v1 =	vld.idx.msk [tilespmem:v1+s3+$0x0], $0xffff;
	_ =	sdelay $0x4  }
0x18c: {  	[tilespmem:s29+$0x1B6F0] =	vst v1;
	v1 =	vld [tilespmem:s29+$0x19710];
	_ =	sdelay $0x1  }
0x18d: {  	v0 =	vld.idx.msk [tilespmem:v0+s3+$0x0], $0xffff;
	_ =	sdelay $0x4  }
0x18e: {  	[tilespmem:s29+$0x1B700] =	vst v0;
	v0 =	vld [tilespmem:s29+$0x19720]  }
0x18f: {  	v1 =	vld.idx.msk [tilespmem:v1+s3+$0x0], $0xffff;
	_ =	sdelay $0x4  }
0x190: {  	[tilespmem:s29+$0x1B710] =	vst v1;
	v1 =	vld [tilespmem:s29+$0x19730];
	_ =	sdelay $0x1  }
0x191: {  	v0 =	vld.idx.msk [tilespmem:v0+s3+$0x0], $0xffff;
	_ =	sdelay $0x4  }
0x192: {  	[tilespmem:s29+$0x1B720] =	vst v0;
	v0 =	vld [tilespmem:s29+$0x19740]  }
0x193: {  	v1 =	vld.idx.msk [tilespmem:v1+s3+$0x0], $0xffff;
	_ =	sdelay $0x4  }
0x194: {  	[tilespmem:s29+$0x1B730] =	vst v1;
	v1 =	vld [tilespmem:s29+$0x19750];
	_ =	sdelay $0x1  }
0x195: {  	v0 =	vld.idx.msk [tilespmem:v0+s3+$0x0], $0xffff;
	_ =	sdelay $0x4  }
0x196: {  	[tilespmem:s29+$0x1B740] =	vst v0;
	v0 =	vld [tilespmem:s29+$0x19760]  }
0x197: {  	v1 =	vld.idx.msk [tilespmem:v1+s3+$0x0], $0xffff;
	_ =	sdelay $0x4  }
0x198: {  	[tilespmem:s29+$0x1B750] =	vst v1;
	v1 =	vld [tilespmem:s29+$0x19770];
	_ =	sdelay $0x1  }
0x199: {  	v0 =	vld.idx.msk [tilespmem:v0+s3+$0x0], $0xffff;
	_ =	sdelay $0x4  }
0x19a: {  	v2 =	vld [tilespmem:s29+$0x19780];
	[tilespmem:s29+$0x1B760] =	vst v0  }
0x19b: {  	v0 =	vld.idx.msk [tilespmem:v1+s3+$0x0], $0xffff;
	_ =	sdelay $0x4  }
0x19c: {  	[tilespmem:s29+$0x1B770] =	vst v0;
	v0 =	vld [tilespmem:s29+$0x19790];
	_ =	sdelay $0x1  }
0x19d: {  	v1 =	vld.idx.msk [tilespmem:v2+s3+$0x0], $0xffff;
	_ =	sdelay $0x3  }
0x19e: {  	s30 =	simm.s32 $0x800;
	s0 =	simm.s32 $0x100  }
.LBB2_9:
0x19f: {  	p0 =	sne.s32 s30, $0x3C00;
	v2 =	vld [tilespmem:s0+$0x196A0];
	[tilespmem:s29+$0x1B780] =	vst v1  }
0x1a0: {  	v0 =	vld.idx.msk [tilespmem:v0+s3+$0x0], $0xffff;
	_ =	sdelay $0x5  }
0x1a1: {  	v1 =	vld [tilespmem:s0+$0x196B0];
	[tilespmem:s29+$0x1B790] =	vst v0;
	s29 =	smov.u32 s0  }
0x1a2: {  	v0 =	vld.idx.msk [tilespmem:v2+s3+$0x0], $0xffff;
	_ =	sdelay $0x5  }
0x1a3: {  	[tilespmem:s29+$0x1B6A0] =	vst v0;
	v0 =	vld [tilespmem:s29+$0x196C0]  }
0x1a4: {  	v1 =	vld.idx.msk [tilespmem:v1+s3+$0x0], $0xffff;
	_ =	sdelay $0x5  }
0x1a5: {  	[tilespmem:s29+$0x1B6B0] =	vst v1;
	v1 =	vld [tilespmem:s29+$0x196D0]  }
0x1a6: {  	v0 =	vld.idx.msk [tilespmem:v0+s3+$0x0], $0xffff;
	_ =	sdelay $0x5  }
0x1a7: {  	[tilespmem:s29+$0x1B6C0] =	vst v0;
	v0 =	vld [tilespmem:s29+$0x196E0]  }
0x1a8: {  	v1 =	vld.idx.msk [tilespmem:v1+s3+$0x0], $0xffff;
	_ =	sdelay $0x5  }
0x1a9: {  	[tilespmem:s29+$0x1B6D0] =	vst v1;
	v1 =	vld [tilespmem:s29+$0x196F0]  }
0x1aa: {  	v0 =	vld.idx.msk [tilespmem:v0+s3+$0x0], $0xffff;
	_ =	sdelay $0x5  }
0x1ab: {  	[tilespmem:s29+$0x1B6E0] =	vst v0;
	v0 =	vld [tilespmem:s29+$0x19700]  }
0x1ac: {  	v1 =	vld.idx.msk [tilespmem:v1+s3+$0x0], $0xffff;
	_ =	sdelay $0x5  }
0x1ad: {  	[tilespmem:s29+$0x1B6F0] =	vst v1;
	v1 =	vld [tilespmem:s29+$0x19710]  }
0x1ae: {  	v0 =	vld.idx.msk [tilespmem:v0+s3+$0x0], $0xffff;
	_ =	sdelay $0x5  }
0x1af: {  	[tilespmem:s29+$0x1B700] =	vst v0;
	v0 =	vld [tilespmem:s29+$0x19720]  }
0x1b0: {  	v1 =	vld.idx.msk [tilespmem:v1+s3+$0x0], $0xffff;
	_ =	sdelay $0x5  }
0x1b1: {  	[tilespmem:s29+$0x1B710] =	vst v1;
	v1 =	vld [tilespmem:s29+$0x19730]  }
0x1b2: {  	v0 =	vld.idx.msk [tilespmem:v0+s3+$0x0], $0xffff;
	_ =	sdelay $0x5  }
0x1b3: {  	[tilespmem:s29+$0x1B720] =	vst v0;
	v0 =	vld [tilespmem:s29+$0x19740]  }
0x1b4: {  	v1 =	vld.idx.msk [tilespmem:v1+s3+$0x0], $0xffff;
	_ =	sdelay $0x5  }
0x1b5: {  	[tilespmem:s29+$0x1B730] =	vst v1;
	v1 =	vld [tilespmem:s29+$0x19750]  }
0x1b6: {  	v0 =	vld.idx.msk [tilespmem:v0+s3+$0x0], $0xffff;
	_ =	sdelay $0x5  }
0x1b7: {  	[tilespmem:s29+$0x1B740] =	vst v0;
	v0 =	vld [tilespmem:s29+$0x19760]  }
0x1b8: {  	v1 =	vld.idx.msk [tilespmem:v1+s3+$0x0], $0xffff;
	_ =	sdelay $0x5  }
0x1b9: {  	[tilespmem:s29+$0x1B750] =	vst v1;
	v1 =	vld [tilespmem:s29+$0x19770]  }
0x1ba: {  	v0 =	vld.idx.msk [tilespmem:v0+s3+$0x0], $0xffff;
	_ =	sdelay $0x5  }
0x1bb: {  	[tilespmem:s29+$0x1B760] =	vst v0;
	v2 =	vld [tilespmem:s29+$0x19780]  }
0x1bc: {  	v0 =	vld.idx.msk [tilespmem:v1+s3+$0x0], $0xffff;
	_ =	sdelay $0x5  }
0x1bd: {  	[tilespmem:s29+$0x1B770] =	vst v0;
	v0 =	vld [tilespmem:s29+$0x19790]  }
0x1be: {  	v1 =	vld.idx.msk [tilespmem:v2+s3+$0x0], $0xffff  }
.Ltmp3:
0x1bf: {  	(pc) =	sbr.rel @p0 .LBB2_9-.Ltmp3, $2  }
0x1c0: {  	_ =	sdelay $0x2  }
0x1c1: {  	s0 =	sshra.s32 s30, $0x2;
	s30 =	sadd.s32 $0x400, s30  }
0x1c2: {  	_ =	sdelay $0x1  }
0x1c3: {  	v2 =	vld [tilespmem:s0+$0x196A0]  }
0x1c4: {  	[tilespmem:s29+$0x1B780] =	vst v1  }
0x1c5: {  	v0 =	vld.idx.msk [tilespmem:v0+s3+$0x0], $0xffff;
	_ =	sdelay $0x3  }
0x1c6: {  	v1 =	vld [tilespmem:s0+$0x196B0]  }
0x1c7: {  	[tilespmem:s29+$0x1B790] =	vst v0  }
0x1c8: {  	v0 =	vld.idx.msk [tilespmem:v2+s3+$0x0], $0xffff;
	_ =	sdelay $0x3  }
0x1c9: {  	v50 =	vld [tilespmem:s0+$0x196C0]  }
0x1ca: {  	[tilespmem:s0+$0x1B6A0] =	vst v0  }
0x1cb: {  	v1 =	vld.idx.msk [tilespmem:v1+s3+$0x0], $0xffff;
	_ =	sdelay $0x3  }
0x1cc: {  	v51 =	vld [tilespmem:s0+$0x196D0]  }
0x1cd: {  	[tilespmem:s0+$0x1B6B0] =	vst v1  }
0x1ce: {  	v0 =	vld.idx.msk [tilespmem:v50+s3+$0x0], $0xffff;
	_ =	sdelay $0x3  }
0x1cf: {  	v52 =	vld [tilespmem:s0+$0x196E0]  }
0x1d0: {  	[tilespmem:s0+$0x1B6C0] =	vst v0  }
0x1d1: {  	v1 =	vld.idx.msk [tilespmem:v51+s3+$0x0], $0xffff;
	_ =	sdelay $0x3  }
0x1d2: {  	v53 =	vld [tilespmem:s0+$0x196F0]  }
0x1d3: {  	[tilespmem:s0+$0x1B6D0] =	vst v1  }
0x1d4: {  	v0 =	vld.idx.msk [tilespmem:v52+s3+$0x0], $0xffff;
	_ =	sdelay $0x3  }
0x1d5: {  	v54 =	vld [tilespmem:s0+$0x19700]  }
0x1d6: {  	[tilespmem:s0+$0x1B6E0] =	vst v0  }
0x1d7: {  	v1 =	vld.idx.msk [tilespmem:v53+s3+$0x0], $0xffff;
	_ =	sdelay $0x3  }
0x1d8: {  	v55 =	vld [tilespmem:s0+$0x19710]  }
0x1d9: {  	[tilespmem:s0+$0x1B6F0] =	vst v1  }
0x1da: {  	v0 =	vld.idx.msk [tilespmem:v54+s3+$0x0], $0xffff;
	_ =	sdelay $0x3  }
0x1db: {  	v56 =	vld [tilespmem:s0+$0x19720]  }
0x1dc: {  	[tilespmem:s0+$0x1B700] =	vst v0  }
0x1dd: {  	v1 =	vld.idx.msk [tilespmem:v55+s3+$0x0], $0xffff;
	_ =	sdelay $0x3  }
0x1de: {  	v57 =	vld [tilespmem:s0+$0x19730]  }
0x1df: {  	[tilespmem:s0+$0x1B710] =	vst v1  }
0x1e0: {  	v0 =	vld.idx.msk [tilespmem:v56+s3+$0x0], $0xffff;
	_ =	sdelay $0x3  }
0x1e1: {  	v58 =	vld [tilespmem:s0+$0x19740]  }
0x1e2: {  	[tilespmem:s0+$0x1B720] =	vst v0  }
0x1e3: {  	v1 =	vld.idx.msk [tilespmem:v57+s3+$0x0], $0xffff;
	_ =	sdelay $0x3  }
0x1e4: {  	v59 =	vld [tilespmem:s0+$0x19750]  }
0x1e5: {  	[tilespmem:s0+$0x1B730] =	vst v1  }
0x1e6: {  	v0 =	vld.idx.msk [tilespmem:v58+s3+$0x0], $0xffff;
	_ =	sdelay $0x3  }
0x1e7: {  	v60 =	vld [tilespmem:s0+$0x19760]  }
0x1e8: {  	[tilespmem:s0+$0x1B740] =	vst v0  }
0x1e9: {  	v1 =	vld.idx.msk [tilespmem:v59+s3+$0x0], $0xffff;
	_ =	sdelay $0x3  }
0x1ea: {  	v61 =	vld [tilespmem:s0+$0x19770]  }
0x1eb: {  	[tilespmem:s0+$0x1B750] =	vst v1  }
0x1ec: {  	v0 =	vld.idx.msk [tilespmem:v60+s3+$0x0], $0xffff;
	_ =	sdelay $0x3  }
0x1ed: {  	v62 =	vld [tilespmem:s0+$0x19780]  }
0x1ee: {  	[tilespmem:s0+$0x1B760] =	vst v0  }
0x1ef: {  	v1 =	vld.idx.msk [tilespmem:v61+s3+$0x0], $0xffff;
	_ =	sdelay $0x3  }
0x1f0: {  	v63 =	vld [tilespmem:s0+$0x19790]  }
0x1f1: {  	[tilespmem:s0+$0x1B770] =	vst v1  }
0x1f2: {  	v0 =	vld.idx.msk [tilespmem:v62+s3+$0x0], $0xffff;
	_ =	sdelay $0x4  }
0x1f3: {  	[tilespmem:s0+$0x1B780] =	vst v0  }
0x1f4: {  	v0 =	vld.idx.msk [tilespmem:v63+s3+$0x0], $0xffff;
	_ =	sdelay $0x4  }
0x1f5: {  	s31 =	sadd.s32 s28, s13;
	s26 =	sadd.s32 $0x1, s26;
	[tilespmem:s0+$0x1B790] =	vst v0  }
0x1f6: {  	[hbm4b:s31+s3] =	stream.linear.scatter [tilespmem:s23], [sflag:$0x2], $0x1000, $0x38;
	[tilespmem:$0x1C6A0] =	vst v63  }
0x1f7: {  	p0 =	sne.s32 s26, $0x1A;
	_ =	swait.ge [sflag:s24], $0x1000  }
.Ltmp4:
0x1f8: {  	[sflag:s24] =	ssyncset.done $0x0;
	(pc) =	sbr.rel @p0 .LBB2_2-.Ltmp4, $4  }
0x1f9: {  	[sflag:s24] =	ssyncadd.s32 $0xFFFFF000  }
0x1fa: {  	_ =	swait.ge [sflag:s24], $0x1000  }
0x1fb: {  	[sflag:s24] =	ssyncset.done $0x0  }
0x1fc: {  	[sflag:s24] =	ssyncadd.s32 $0xFFFFF000  }
0x1fd: {  	s25 =	sadd.s32 $0x1, s25  }
0x1fe: {  	p0 =	sne.s32 s25, s14  }
.Ltmp5:
0x1ff: {  	_ = 	snop;
	(pc) =	sbr.rel @p0 .LBB2_1-.Ltmp5, $1  }
0x200: {  	_ =	sdelay $0x3  }
0x201: {  	_ =	sfence.sel $0x180000  }
0x202: {  	[bflag:$0x0] =	sbarrier.arrive $0xFFFF  }
0x203: {  	_ =	strace $0x90000047  }
0x204: {  	[bflag:$0x2] =	sbarrier.arrive $0xFFFF  }
0x205: {  	p0 =	sne.s32 s2, $0x0;
	s0 =	rddreg [dreg:$0x2]  }
0x206: {  	s0 =	sadd.s32 @!p0 $0x100000, s0  }
0x207: {  	[sflag:s0] =	ssyncadd.tile.s32 @!p0 $0x1;
	_ =	shalt  }
.Lfunc_end2:
_tile_overlayer_lowered:
.L_overlay_start_2:
0x208: {  	(tag) =	ssettag $0x2  }
0x209: {  	s0 =	rddreg [dreg:$0x0];
	s2 =	stileid.u32  }
0x20a: {  	s1 =	rddreg [dreg:$0x1];
	p0 =	sne.s32 s2, $0x0  }
0x20b: {  	s3 =	rddreg [dreg:$0x2];
	[bflag:$0x3] =	sbarrier.arrive $0xFFFF;
	s2 =	simm.s32 @!p0 $0x1C04  }
0x20c: {  	[timem:s3], [sflag:s2] =	dma.local @!p0 [hbm:s0], s1  }
0x20d: {  	s0 =	simm.s32 @!p0 $0x4  }
0x20e: {  	_ =	swait.ge @!p0 [sflag:s0], s1  }
0x20f: {  	s1 =	ssub.s32 @!p0 $0x0, s1;
	[sflag:s0] =	ssyncset.done @!p0 $0x0  }
0x210: {  	[sflag:s0] =	ssyncadd.s32 @!p0 s1  }
0x211: {  	[bflag:$0x3] =	sbarrier.arrive $0xFFFF  }
0x212: {  	_ =	shalt  }

</sc_bundles>
